<compile_context>
chip_gen: v7x
topology: tpu7x:2x2x1
jax: 0.10.2.dev20260603
libtpu: 0.0.44.dev20260713+nightly
codegen_flags: <defaults>
</compile_context>

<pallas_src>
import functools

import numpy as np
import jax
import jax.numpy as jnp
from jax import lax
from jax.experimental import pallas as pl
from jax.experimental.pallas import tpu as pltpu
from jax.experimental.pallas import tpu_sc as plsc

_L = 16

_CABINP1 = np.array([[-20.0, 3.0], [-10.0, 2.0], [0.0, 0.88], [10.0, 0.38],
                     [25.0, 0.7], [30.0, 1.0], [35.0, 1.31], [40.0, 2.5],
                     [45.0, 3.0]], dtype=np.float64)
_CABINP2 = np.array([[-20.0, 3.0], [-15.0, 2.0], [-10.0, 1.0], [-5.0, 0.5],
                     [0.0, 0.4], [5.0, 0.5], [10.0, 1.5], [15.0, 3.0],
                     [20.0, 6.0]], dtype=np.float64)
_TEMP_SET = np.array([18.0, 20, 22, 24, 26, 28, 30, 31.5, 32], dtype=np.float64)
_TEMP_ENVR = np.array([-30.0, -20, -10, 0, 5, 10, 15, 20, 25, 30, 35, 40, 45, 50],
                      dtype=np.float64)
_CABINSP = np.array([
    [17.0, 17, 17, 17, 17, 17, 17, 17, 17, 17, 17, 17, 17, 17],
    [20, 20, 19.5, 19.5, 19.5, 19, 19, 19, 18.5, 18.5, 18, 18, 18, 18],
    [22, 22, 22, 22.5, 22.5, 22.5, 22, 22, 21, 21, 21, 21, 20.5, 20],
    [24, 24.5, 25.5, 25.5, 26, 26, 25.5, 25, 24.5, 24, 23.5, 23, 23, 23],
    [27, 26.5, 27, 27.5, 28, 28, 27.5, 27, 26.5, 26, 25.5, 26, 26, 26],
    [29, 28.5, 28.5, 29.5, 30, 30, 29.5, 29, 29, 29, 28, 28, 29, 29],
    [31, 30.5, 30.5, 31.5, 32, 32, 32, 31, 31, 31, 31, 31, 31, 31],
    [32, 32, 32, 33, 33, 33, 33, 33, 33, 33, 33, 33, 32, 32],
    [32, 32, 36, 36, 36, 36, 36, 36, 36, 36, 36, 36, 36, 36]], dtype=np.float64)


def _seg_lut(pts, lo, step, n):
    mids = lo + step * (np.arange(n) + 0.5)
    return np.clip(np.searchsorted(pts, mids) - 1, 0, len(pts) - 2).astype(np.int32)


def _line_coefs(xp, fp):
    s = np.diff(fp) / np.diff(xp)
    c = fp[:-1] - s * xp[:-1]
    return c, s

_O_TAB = 0
_O_CA = 126
_O_CB = 139
_O_RA = 152
_O_RB = 160
_O_C1 = 168
_O_S1 = 176
_O_C2 = 184
_O_S2 = 192
_NF = 200

_O_LUTC = 0
_O_LUTR = 17
_O_LUT1 = 46
_NI = 64


def _build_tables():
    tf = np.zeros((_NF,), np.float64)
    tf[_O_TAB:_O_TAB + 126] = _CABINSP.reshape(-1)
    invc = 1.0 / np.diff(_TEMP_ENVR)
    tf[_O_CA:_O_CA + 13] = invc
    tf[_O_CB:_O_CB + 13] = -_TEMP_ENVR[:-1] * invc
    invr = 1.0 / np.diff(_TEMP_SET)
    tf[_O_RA:_O_RA + 8] = invr
    tf[_O_RB:_O_RB + 8] = -_TEMP_SET[:-1] * invr
    c1, s1 = _line_coefs(_CABINP1[:, 0], _CABINP1[:, 1])
    tf[_O_C1:_O_C1 + 8] = c1
    tf[_O_S1:_O_S1 + 8] = s1
    c2, s2 = _line_coefs(_CABINP2[:, 0], _CABINP2[:, 1])
    tf[_O_C2:_O_C2 + 8] = c2
    tf[_O_S2:_O_S2 + 8] = s2

    ti = np.zeros((_NI,), np.int32)
    ti[_O_LUTC:_O_LUTC + 17] = _seg_lut(_TEMP_ENVR, -30.0, 5.0, 17)
    ti[_O_LUTR:_O_LUTR + 29] = _seg_lut(_TEMP_SET, 18.0, 0.5, 29)
    ti[_O_LUT1:_O_LUT1 + 14] = _seg_lut(_CABINP1[:, 0], -20.0, 5.0, 14)
    return tf.astype(np.float32), ti

_TBLF_NP, _TBLI_NP = _build_tables()


def _f(v):
    return np.float32(v)


def _group_compute(tf, ti, a0, fl, fr, tin):
    a = jnp.clip(a0, _f(-30.0), _f(50.0))
    iu = ((a + _f(30.0)) * _f(0.2)).astype(jnp.int32)
    ci0 = plsc.load_gather(ti, [iu])
    tc = a * plsc.load_gather(tf, [ci0 + _O_CA]) \
        + plsc.load_gather(tf, [ci0 + _O_CB])

    def bilin(q):
        qc = jnp.clip(q, _f(18.0), _f(32.0))
        ir = ((qc - _f(18.0)) * _f(2.0)).astype(jnp.int32)
        ri0 = plsc.load_gather(ti, [ir + _O_LUTR])
        tr = qc * plsc.load_gather(tf, [ri0 + _O_RA]) \
            + plsc.load_gather(tf, [ri0 + _O_RB])
        base = ri0 * 14 + ci0
        f00 = plsc.load_gather(tf, [base])
        f01 = plsc.load_gather(tf, [base + 1])
        f10 = plsc.load_gather(tf, [base + 14])
        f11 = plsc.load_gather(tf, [base + 15])
        top = f00 + tc * (f01 - f00)
        bot = f10 + tc * (f11 - f10)
        return top + tr * (bot - top)

    a1 = jnp.clip(a0, _f(-20.0), _f(45.0))
    i1 = ((a1 + _f(20.0)) * _f(0.2)).astype(jnp.int32)
    s1 = plsc.load_gather(ti, [i1 + _O_LUT1])
    kp1 = plsc.load_gather(tf, [s1 + _O_C1]) \
        + plsc.load_gather(tf, [s1 + _O_S1]) * a1

    err = jnp.minimum(bilin(fl), bilin(fr)) - tin
    e = jnp.clip(err, _f(-20.0), _f(20.0))
    i2 = jnp.minimum(((e + _f(20.0)) * _f(0.2)).astype(jnp.int32), 7)
    kp2 = plsc.load_gather(tf, [i2 + _O_C2]) \
        + plsc.load_gather(tf, [i2 + _O_S2]) * e

    return jnp.minimum(kp1, kp2)


_COLS = (1, 2, 3, 8)


@functools.cache
def _make_sc_kernel(nrows):
    NW = 32
    R = nrows // NW
    CH = 4096
    NCH = R // CH
    NPAIR = NCH // 2
    CR = CH // 128
    GRP = CH // _L
    mesh = plsc.VectorSubcoreMesh(core_axis_name="c", subcore_axis_name="s")

    col_scratch = [pltpu.VMEM((CR, 128), jnp.float32)] * (2 * len(_COLS))

    @functools.partial(
        pl.kernel, mesh=mesh,
        compiler_params=pltpu.CompilerParams(needs_layout_passes=False,
                                             use_tc_tiling_on_sc=False),
        out_type=jax.ShapeDtypeStruct((nrows // 128, 128), jnp.float32),
        scratch_types=col_scratch + [
            pltpu.VMEM((CR, 128), jnp.float32),
            pltpu.VMEM((CR, 128), jnp.float32),
            pltpu.VMEM((_NF,), jnp.float32),
            pltpu.VMEM((_NI,), jnp.int32),
            pltpu.SemaphoreType.DMA,
            pltpu.SemaphoreType.DMA,
        ],
    )
    def sc_kernel(w_hbm, tf_hbm, ti_hbm, out_hbm,
                  a0, f0, g0, t0, a1, f1, g1, t1,
                  ov0, ov1, tfv, tiv, si0, si1):
        wid = lax.axis_index("s") * 2 + lax.axis_index("c")
        base_blk = wid * (R // 128)

        pltpu.sync_copy(tf_hbm, tfv)
        pltpu.sync_copy(ti_hbm, tiv)

        bufs = ((a0, f0, g0, t0), (a1, f1, g1, t1))

        def start_in(ch, bufset, sem):
            blk = base_blk + ch * CR
            for col, dst in zip(_COLS, bufset):
                pltpu.make_async_copy(
                    w_hbm.at[col // 8, pl.ds(blk, CR), col % 8, :],
                    dst, sem).start()

        def wait_in(bufset, sem):
            for dst in bufset:
                pltpu.make_async_copy(
                    w_hbm.at[0, pl.ds(0, CR), 0, :], dst, sem).wait()

        def compute(bufset, ov):
            av, fv, gv, tv = bufset

            @plsc.parallel_loop(0, GRP, unroll=1)
            def body(g):
                rr = g // 8
                cc = (g % 8) * _L
                a = av[rr, pl.ds(cc, _L)]
                fl = fv[rr, pl.ds(cc, _L)]
                fr = gv[rr, pl.ds(cc, _L)]
                ti = tv[rr, pl.ds(cc, _L)]
                ov[rr, pl.ds(cc, _L)] = _group_compute(tfv, tiv, a, fl, fr, ti)

        start_in(0, bufs[0], si0)
        start_in(1, bufs[1], si1)

        def pair(p, carry):
            chA = p * 2
            wait_in(bufs[0], si0)
            compute(bufs[0], ov0)

            @pl.when(p < NPAIR - 1)
            def _():
                start_in(chA + 2, bufs[0], si0)

            pltpu.sync_copy(ov0, out_hbm.at[pl.ds(base_blk + chA * CR, CR), :])

            wait_in(bufs[1], si1)
            compute(bufs[1], ov1)

            @pl.when(p < NPAIR - 1)
            def _():
                start_in(chA + 3, bufs[1], si1)

            pltpu.sync_copy(
                ov1, out_hbm.at[pl.ds(base_blk + (chA + 1) * CR, CR), :])
            return carry

        lax.fori_loop(0, NPAIR, pair, 0)

    return sc_kernel


def kernel(x):
    if x.ndim == 1:
        x = x[None, :]
    nrows, ncols = x.shape
    w = x.reshape(nrows // 128, 128, ncols // 8, 8).transpose(2, 0, 3, 1)
    out = _make_sc_kernel(nrows)(w, jnp.asarray(_TBLF_NP), jnp.asarray(_TBLI_NP))
    return out.reshape(nrows, 1)

# --- scband reference (transcript-rebuilt; emitter-appended) ---
"""Pipeline reference for scband-my-model-56968446214685 (READ-ONLY COPY).

The authoritative reference and input builder live on the scoring server;
editing this copy changes nothing except your own understanding.
"""

import jax, jax.numpy as jnp
import numpy as np

CABINP1 = jnp.array([[-20.0, 3.0], [-10.0, 2.0], [0.0, 0.88], [10.0, 0.38], [25.0, 0.7], [30.0, 1.0], [35.0, 1.31], [40.0, 2.5], [45.0, 3.0]], dtype=jnp.float32)
CABINP2 = jnp.array([[-20.0, 3.0], [-15.0, 2.0], [-10.0, 1.0], [-5.0, 0.5], [0.0, 0.4], [5.0, 0.5], [10.0, 1.5], [15.0, 3.0], [20.0, 6.0]], dtype=jnp.float32)
TEMP_SET = jnp.array([18.0, 20, 22, 24, 26, 28, 30, 31.5, 32], dtype=jnp.float32)
TEMP_ENVR = jnp.array([-30.0, -20, -10, 0, 5, 10, 15, 20, 25, 30, 35, 40, 45, 50], dtype=jnp.float32)
CABINSP = jnp.array([
    [17.0, 17, 17, 17, 17, 17, 17, 17, 17, 17, 17, 17, 17, 17],
    [20, 20, 19.5, 19.5, 19.5, 19, 19, 19, 18.5, 18.5, 18, 18, 18, 18],
    [22, 22, 22, 22.5, 22.5, 22.5, 22, 22, 21, 21, 21, 21, 20.5, 20],
    [24, 24.5, 25.5, 25.5, 26, 26, 25.5, 25, 24.5, 24, 23.5, 23, 23, 23],
    [27, 26.5, 27, 27.5, 28, 28, 27.5, 27, 26.5, 26, 25.5, 26, 26, 26],
    [29, 28.5, 28.5, 29.5, 30, 30, 29.5, 29, 29, 29, 28, 28, 29, 29],
    [31, 30.5, 30.5, 31.5, 32, 32, 32, 31, 31, 31, 31, 31, 31, 31],
    [32, 32, 32, 33, 33, 33, 33, 33, 33, 33, 33, 33, 32, 32],
    [32, 32, 36, 36, 36, 36, 36, 36, 36, 36, 36, 36, 36, 36]], dtype=jnp.float32)


def inter1D(xp, fp, x):
    # piecewise-linear table lookup with endpoint clamping, returns column vector
    return jnp.interp(x.reshape(-1), xp, fp).reshape(-1, 1)


def inter2D(row_pts, col_pts, table, row_q, col_q):
    # bilinear table lookup with endpoint clamping
    rq = jnp.clip(row_q, row_pts[0], row_pts[-1])
    cq = jnp.clip(col_q, col_pts[0], col_pts[-1])
    ri = jnp.clip(jnp.searchsorted(row_pts, rq), 1, row_pts.shape[0] - 1)
    ci = jnp.clip(jnp.searchsorted(col_pts, cq), 1, col_pts.shape[0] - 1)
    r0 = row_pts[ri - 1]; r1 = row_pts[ri]
    c0 = col_pts[ci - 1]; c1 = col_pts[ci]
    tr = (rq - r0) / (r1 - r0)
    tc = (cq - c0) / (c1 - c0)
    f00 = table[ri - 1, ci - 1]
    f01 = table[ri - 1, ci]
    f10 = table[ri, ci - 1]
    f11 = table[ri, ci]
    val = f00 * (1 - tr) * (1 - tc) + f01 * (1 - tr) * tc + f10 * tr * (1 - tc) + f11 * tr * tc
    return val.reshape(-1, 1)


def setup_inputs(seed: int = 0) -> dict:
    key = jax.random.key(seed)
    x = jax.random.normal(key, (1048576, 16), dtype=jnp.float32)
    return {"x": x}


def reference(x):
    if x.ndim == 1:
        x = x[None, :]
    temp_amb = x[:, 1]
    cab_fl_set_temp = x[:, 2]
    cab_fr_set_temp = x[:, 3]
    temp_incar = x[:, 8]
    # car_type = 'modena' -> CabinP1_table_modena
    AC_KpRateCabin1 = inter1D(CABINP1[:, 0], CABINP1[:, 1], temp_amb)
    DVT_CabinErr_FL = inter2D(TEMP_SET, TEMP_ENVR, CABINSP, cab_fl_set_temp, temp_amb) - temp_incar.reshape(-1, 1)
    DVT_CabinErr_FR = inter2D(TEMP_SET, TEMP_ENVR, CABINSP, cab_fr_set_temp, temp_amb) - temp_incar.reshape(-1, 1)
    DVT_CabinErr = jnp.minimum(DVT_CabinErr_FL, DVT_CabinErr_FR)
    AC_KpRateCabin2 = inter1D(CABINP2[:, 0], CABINP2[:, 1], DVT_CabinErr)
    AC_KpRateCabin = jnp.minimum(AC_KpRateCabin1, AC_KpRateCabin2)
    return AC_KpRateCabin

if __name__ == "__main__":
    import jax
    _d = setup_inputs()
    print(jax.jit(kernel)(*tuple(_d.values())))

</pallas_src>

<mosaic_0001>
#map = affine_map<(d0, d1) -> (0, 0, 0, 0)>
#map1 = affine_map<(d0, d1) -> (0)>
#map2 = affine_map<(d0, d1) -> (0, 0)>
module attributes {stable_mosaic.version = 14 : i64} {
  func.func @sc_kernel(%arg0: i32, %arg1: i32, %arg2: memref<2x8192x8x128xf32, #tpu.memory_space<hbm>>, %arg3: memref<200xf32, #tpu.memory_space<hbm>>, %arg4: memref<64xi32, #tpu.memory_space<hbm>>, %arg5: memref<8192x128xf32, #tpu.memory_space<hbm>>, %arg6: memref<32x128xf32, #tpu.memory_space<vmem>>, %arg7: memref<32x128xf32, #tpu.memory_space<vmem>>, %arg8: memref<32x128xf32, #tpu.memory_space<vmem>>, %arg9: memref<32x128xf32, #tpu.memory_space<vmem>>, %arg10: memref<32x128xf32, #tpu.memory_space<vmem>>, %arg11: memref<32x128xf32, #tpu.memory_space<vmem>>, %arg12: memref<32x128xf32, #tpu.memory_space<vmem>>, %arg13: memref<32x128xf32, #tpu.memory_space<vmem>>, %arg14: memref<32x128xf32, #tpu.memory_space<vmem>>, %arg15: memref<32x128xf32, #tpu.memory_space<vmem>>, %arg16: memref<200xf32, #tpu.memory_space<vmem>>, %arg17: memref<64xi32, #tpu.memory_space<vmem>>, %arg18: memref<!tpu.dma_semaphore, #tpu.memory_space<semaphore_mem>>, %arg19: memref<!tpu.dma_semaphore, #tpu.memory_space<semaphore_mem>>) attributes {dimension_semantics = [#tpu.dimension_semantics<core_parallel>, #tpu.dimension_semantics<subcore_parallel>], iteration_bounds = array<i64: 2, 16>, scalar_prefetch = 0 : i64, scratch_operands = 14 : i64, tpu.core_type = #tpu.core_type<sc_vector_subcore>, window_params = [{transform_indices = #map}, {transform_indices = #map1}, {transform_indices = #map1}, {transform_indices = #map2}]} {
    %mul3A = arith.constant 2 : i32
    %mul3A_0 = arith.muli %arg1, %mul3A : i32
    %add3A = arith.addi %mul3A_0, %arg0 : i32
    %mul3A_1 = arith.constant 256 : i32
    %mul3A_2 = arith.muli %add3A, %mul3A_1 : i32
    "tpu.region"() ({
      %run_scoped3A = tpu.sem_alloc : memref<!tpu.dma_semaphore, #tpu.memory_space<semaphore_mem>>
      tpu.enqueue_dma source(%arg3 : memref<200xf32, #tpu.memory_space<hbm>>) target(%arg16 : memref<200xf32, #tpu.memory_space<vmem>>) target_semaphore(%run_scoped3A : memref<!tpu.dma_semaphore, #tpu.memory_space<semaphore_mem>>)
      tpu.wait_dma2 semaphore(%run_scoped3A : memref<!tpu.dma_semaphore, #tpu.memory_space<semaphore_mem>>) src(%arg3 : memref<200xf32, #tpu.memory_space<hbm>>) dst(%arg16 : memref<200xf32, #tpu.memory_space<vmem>>)
      tpu.yield
    }) : () -> ()
    "tpu.region"() ({
      %run_scoped3A = tpu.sem_alloc : memref<!tpu.dma_semaphore, #tpu.memory_space<semaphore_mem>>
      tpu.enqueue_dma source(%arg4 : memref<64xi32, #tpu.memory_space<hbm>>) target(%arg17 : memref<64xi32, #tpu.memory_space<vmem>>) target_semaphore(%run_scoped3A : memref<!tpu.dma_semaphore, #tpu.memory_space<semaphore_mem>>)
      tpu.wait_dma2 semaphore(%run_scoped3A : memref<!tpu.dma_semaphore, #tpu.memory_space<semaphore_mem>>) src(%arg4 : memref<64xi32, #tpu.memory_space<hbm>>) dst(%arg17 : memref<64xi32, #tpu.memory_space<vmem>>)
      tpu.yield
    }) : () -> ()
    %add3A_3 = arith.constant 0 : i32
    %add3A_4 = arith.addi %mul3A_2, %add3A_3 : i32
    %dma_start3A = arith.constant 0 : i32
    %dma_start3A_5 = arith.constant 1 : i32
    %dma_start3A_6 = arith.constant 0 : i32
    %dma_start3A_7 = tpu.memref_slice %arg2[%dma_start3A, %add3A_4, %dma_start3A_5, %dma_start3A_6] : memref<2x8192x8x128xf32, #tpu.memory_space<hbm>> -> memref<1x32x1x128xf32, #tpu.memory_space<hbm>>
    %dma_start3A_8 = tpu.memref_squeeze %dma_start3A_7 : memref<1x32x1x128xf32, #tpu.memory_space<hbm>> -> memref<32x128xf32, #tpu.memory_space<hbm>>
    %dma_start3A_9 = arith.constant 0 : i32
    %dma_start3A_10 = tpu.memref_slice %arg2[%dma_start3A, %add3A_4, %dma_start3A_5, %dma_start3A_9] : memref<2x8192x8x128xf32, #tpu.memory_space<hbm>> -> memref<1x32x1x128xf32, #tpu.memory_space<hbm>>
    %dma_start3A_11 = tpu.memref_squeeze %dma_start3A_10 : memref<1x32x1x128xf32, #tpu.memory_space<hbm>> -> memref<32x128xf32, #tpu.memory_space<hbm>>
    tpu.enqueue_dma source(%dma_start3A_11 : memref<32x128xf32, #tpu.memory_space<hbm>>) target(%arg6 : memref<32x128xf32, #tpu.memory_space<vmem>>) target_semaphore(%arg18 : memref<!tpu.dma_semaphore, #tpu.memory_space<semaphore_mem>>)
    %dma_start3A_12 = arith.constant 0 : i32
    %dma_start3A_13 = arith.constant 2 : i32
    %dma_start3A_14 = arith.constant 0 : i32
    %dma_start3A_15 = tpu.memref_slice %arg2[%dma_start3A_12, %add3A_4, %dma_start3A_13, %dma_start3A_14] : memref<2x8192x8x128xf32, #tpu.memory_space<hbm>> -> memref<1x32x1x128xf32, #tpu.memory_space<hbm>>
    %dma_start3A_16 = tpu.memref_squeeze %dma_start3A_15 : memref<1x32x1x128xf32, #tpu.memory_space<hbm>> -> memref<32x128xf32, #tpu.memory_space<hbm>>
    %dma_start3A_17 = arith.constant 0 : i32
    %dma_start3A_18 = tpu.memref_slice %arg2[%dma_start3A_12, %add3A_4, %dma_start3A_13, %dma_start3A_17] : memref<2x8192x8x128xf32, #tpu.memory_space<hbm>> -> memref<1x32x1x128xf32, #tpu.memory_space<hbm>>
    %dma_start3A_19 = tpu.memref_squeeze %dma_start3A_18 : memref<1x32x1x128xf32, #tpu.memory_space<hbm>> -> memref<32x128xf32, #tpu.memory_space<hbm>>
    tpu.enqueue_dma source(%dma_start3A_19 : memref<32x128xf32, #tpu.memory_space<hbm>>) target(%arg7 : memref<32x128xf32, #tpu.memory_space<vmem>>) target_semaphore(%arg18 : memref<!tpu.dma_semaphore, #tpu.memory_space<semaphore_mem>>)
    %dma_start3A_20 = arith.constant 0 : i32
    %dma_start3A_21 = arith.constant 3 : i32
    %dma_start3A_22 = arith.constant 0 : i32
    %dma_start3A_23 = tpu.memref_slice %arg2[%dma_start3A_20, %add3A_4, %dma_start3A_21, %dma_start3A_22] : memref<2x8192x8x128xf32, #tpu.memory_space<hbm>> -> memref<1x32x1x128xf32, #tpu.memory_space<hbm>>
    %dma_start3A_24 = tpu.memref_squeeze %dma_start3A_23 : memref<1x32x1x128xf32, #tpu.memory_space<hbm>> -> memref<32x128xf32, #tpu.memory_space<hbm>>
    %dma_start3A_25 = arith.constant 0 : i32
    %dma_start3A_26 = tpu.memref_slice %arg2[%dma_start3A_20, %add3A_4, %dma_start3A_21, %dma_start3A_25] : memref<2x8192x8x128xf32, #tpu.memory_space<hbm>> -> memref<1x32x1x128xf32, #tpu.memory_space<hbm>>
    %dma_start3A_27 = tpu.memref_squeeze %dma_start3A_26 : memref<1x32x1x128xf32, #tpu.memory_space<hbm>> -> memref<32x128xf32, #tpu.memory_space<hbm>>
    tpu.enqueue_dma source(%dma_start3A_27 : memref<32x128xf32, #tpu.memory_space<hbm>>) target(%arg8 : memref<32x128xf32, #tpu.memory_space<vmem>>) target_semaphore(%arg18 : memref<!tpu.dma_semaphore, #tpu.memory_space<semaphore_mem>>)
    %dma_start3A_28 = arith.constant 1 : i32
    %dma_start3A_29 = arith.constant 0 : i32
    %dma_start3A_30 = arith.constant 0 : i32
    %dma_start3A_31 = tpu.memref_slice %arg2[%dma_start3A_28, %add3A_4, %dma_start3A_29, %dma_start3A_30] : memref<2x8192x8x128xf32, #tpu.memory_space<hbm>> -> memref<1x32x1x128xf32, #tpu.memory_space<hbm>>
    %dma_start3A_32 = tpu.memref_squeeze %dma_start3A_31 : memref<1x32x1x128xf32, #tpu.memory_space<hbm>> -> memref<32x128xf32, #tpu.memory_space<hbm>>
    %dma_start3A_33 = arith.constant 0 : i32
    %dma_start3A_34 = tpu.memref_slice %arg2[%dma_start3A_28, %add3A_4, %dma_start3A_29, %dma_start3A_33] : memref<2x8192x8x128xf32, #tpu.memory_space<hbm>> -> memref<1x32x1x128xf32, #tpu.memory_space<hbm>>
    %dma_start3A_35 = tpu.memref_squeeze %dma_start3A_34 : memref<1x32x1x128xf32, #tpu.memory_space<hbm>> -> memref<32x128xf32, #tpu.memory_space<hbm>>
    tpu.enqueue_dma source(%dma_start3A_35 : memref<32x128xf32, #tpu.memory_space<hbm>>) target(%arg9 : memref<32x128xf32, #tpu.memory_space<vmem>>) target_semaphore(%arg18 : memref<!tpu.dma_semaphore, #tpu.memory_space<semaphore_mem>>)
    %add3A_36 = arith.constant 32 : i32
    %add3A_37 = arith.addi %mul3A_2, %add3A_36 : i32
    %dma_start3A_38 = arith.constant 0 : i32
    %dma_start3A_39 = arith.constant 1 : i32
    %dma_start3A_40 = arith.constant 0 : i32
    %dma_start3A_41 = tpu.memref_slice %arg2[%dma_start3A_38, %add3A_37, %dma_start3A_39, %dma_start3A_40] : memref<2x8192x8x128xf32, #tpu.memory_space<hbm>> -> memref<1x32x1x128xf32, #tpu.memory_space<hbm>>
    %dma_start3A_42 = tpu.memref_squeeze %dma_start3A_41 : memref<1x32x1x128xf32, #tpu.memory_space<hbm>> -> memref<32x128xf32, #tpu.memory_space<hbm>>
    %dma_start3A_43 = arith.constant 0 : i32
    %dma_start3A_44 = tpu.memref_slice %arg2[%dma_start3A_38, %add3A_37, %dma_start3A_39, %dma_start3A_43] : memref<2x8192x8x128xf32, #tpu.memory_space<hbm>> -> memref<1x32x1x128xf32, #tpu.memory_space<hbm>>
    %dma_start3A_45 = tpu.memref_squeeze %dma_start3A_44 : memref<1x32x1x128xf32, #tpu.memory_space<hbm>> -> memref<32x128xf32, #tpu.memory_space<hbm>>
    tpu.enqueue_dma source(%dma_start3A_45 : memref<32x128xf32, #tpu.memory_space<hbm>>) target(%arg10 : memref<32x128xf32, #tpu.memory_space<vmem>>) target_semaphore(%arg19 : memref<!tpu.dma_semaphore, #tpu.memory_space<semaphore_mem>>)
    %dma_start3A_46 = arith.constant 0 : i32
    %dma_start3A_47 = arith.constant 2 : i32
    %dma_start3A_48 = arith.constant 0 : i32
    %dma_start3A_49 = tpu.memref_slice %arg2[%dma_start3A_46, %add3A_37, %dma_start3A_47, %dma_start3A_48] : memref<2x8192x8x128xf32, #tpu.memory_space<hbm>> -> memref<1x32x1x128xf32, #tpu.memory_space<hbm>>
    %dma_start3A_50 = tpu.memref_squeeze %dma_start3A_49 : memref<1x32x1x128xf32, #tpu.memory_space<hbm>> -> memref<32x128xf32, #tpu.memory_space<hbm>>
    %dma_start3A_51 = arith.constant 0 : i32
    %dma_start3A_52 = tpu.memref_slice %arg2[%dma_start3A_46, %add3A_37, %dma_start3A_47, %dma_start3A_51] : memref<2x8192x8x128xf32, #tpu.memory_space<hbm>> -> memref<1x32x1x128xf32, #tpu.memory_space<hbm>>
    %dma_start3A_53 = tpu.memref_squeeze %dma_start3A_52 : memref<1x32x1x128xf32, #tpu.memory_space<hbm>> -> memref<32x128xf32, #tpu.memory_space<hbm>>
    tpu.enqueue_dma source(%dma_start3A_53 : memref<32x128xf32, #tpu.memory_space<hbm>>) target(%arg11 : memref<32x128xf32, #tpu.memory_space<vmem>>) target_semaphore(%arg19 : memref<!tpu.dma_semaphore, #tpu.memory_space<semaphore_mem>>)
    %dma_start3A_54 = arith.constant 0 : i32
    %dma_start3A_55 = arith.constant 3 : i32
    %dma_start3A_56 = arith.constant 0 : i32
    %dma_start3A_57 = tpu.memref_slice %arg2[%dma_start3A_54, %add3A_37, %dma_start3A_55, %dma_start3A_56] : memref<2x8192x8x128xf32, #tpu.memory_space<hbm>> -> memref<1x32x1x128xf32, #tpu.memory_space<hbm>>
    %dma_start3A_58 = tpu.memref_squeeze %dma_start3A_57 : memref<1x32x1x128xf32, #tpu.memory_space<hbm>> -> memref<32x128xf32, #tpu.memory_space<hbm>>
    %dma_start3A_59 = arith.constant 0 : i32
    %dma_start3A_60 = tpu.memref_slice %arg2[%dma_start3A_54, %add3A_37, %dma_start3A_55, %dma_start3A_59] : memref<2x8192x8x128xf32, #tpu.memory_space<hbm>> -> memref<1x32x1x128xf32, #tpu.memory_space<hbm>>
    %dma_start3A_61 = tpu.memref_squeeze %dma_start3A_60 : memref<1x32x1x128xf32, #tpu.memory_space<hbm>> -> memref<32x128xf32, #tpu.memory_space<hbm>>
    tpu.enqueue_dma source(%dma_start3A_61 : memref<32x128xf32, #tpu.memory_space<hbm>>) target(%arg12 : memref<32x128xf32, #tpu.memory_space<vmem>>) target_semaphore(%arg19 : memref<!tpu.dma_semaphore, #tpu.memory_space<semaphore_mem>>)
    %dma_start3A_62 = arith.constant 1 : i32
    %dma_start3A_63 = arith.constant 0 : i32
    %dma_start3A_64 = arith.constant 0 : i32
    %dma_start3A_65 = tpu.memref_slice %arg2[%dma_start3A_62, %add3A_37, %dma_start3A_63, %dma_start3A_64] : memref<2x8192x8x128xf32, #tpu.memory_space<hbm>> -> memref<1x32x1x128xf32, #tpu.memory_space<hbm>>
    %dma_start3A_66 = tpu.memref_squeeze %dma_start3A_65 : memref<1x32x1x128xf32, #tpu.memory_space<hbm>> -> memref<32x128xf32, #tpu.memory_space<hbm>>
    %dma_start3A_67 = arith.constant 0 : i32
    %dma_start3A_68 = tpu.memref_slice %arg2[%dma_start3A_62, %add3A_37, %dma_start3A_63, %dma_start3A_67] : memref<2x8192x8x128xf32, #tpu.memory_space<hbm>> -> memref<1x32x1x128xf32, #tpu.memory_space<hbm>>
    %dma_start3A_69 = tpu.memref_squeeze %dma_start3A_68 : memref<1x32x1x128xf32, #tpu.memory_space<hbm>> -> memref<32x128xf32, #tpu.memory_space<hbm>>
    tpu.enqueue_dma source(%dma_start3A_69 : memref<32x128xf32, #tpu.memory_space<hbm>>) target(%arg13 : memref<32x128xf32, #tpu.memory_space<vmem>>) target_semaphore(%arg19 : memref<!tpu.dma_semaphore, #tpu.memory_space<semaphore_mem>>)
    %scan3A = arith.constant 0 : i32
    %scan3A_70 = arith.constant 0 : i32
    %scan3A_71 = arith.constant 4 : i32
    %scan3A_72 = arith.addi %scan3A_70, %scan3A_71 : i32
    %scan3A_73 = arith.constant 1 : i32
    scf.for %scan3A_75 = %scan3A_70 to %scan3A_72 step %scan3A_73  : i32 {
      %mul3A_76 = arith.constant 2 : i32
      %mul3A_77 = arith.muli %scan3A_75, %mul3A_76 : i32
      %dma_wait3A = arith.constant 0 : i32
      %dma_wait3A_78 = arith.constant 0 : i32
      %dma_wait3A_79 = arith.constant 0 : i32
      %dma_wait3A_80 = arith.constant 0 : i32
      %dma_wait3A_81 = tpu.memref_slice %arg2[%dma_wait3A, %dma_wait3A_79, %dma_wait3A_78, %dma_wait3A_80] : memref<2x8192x8x128xf32, #tpu.memory_space<hbm>> -> memref<1x32x1x128xf32, #tpu.memory_space<hbm>>
      %dma_wait3A_82 = tpu.memref_squeeze %dma_wait3A_81 : memref<1x32x1x128xf32, #tpu.memory_space<hbm>> -> memref<32x128xf32, #tpu.memory_space<hbm>>
      %dma_wait3A_83 = arith.constant 0 : i32
      %dma_wait3A_84 = arith.constant 0 : i32
      %dma_wait3A_85 = tpu.memref_slice %arg2[%dma_wait3A, %dma_wait3A_83, %dma_wait3A_78, %dma_wait3A_84] : memref<2x8192x8x128xf32, #tpu.memory_space<hbm>> -> memref<1x32x1x128xf32, #tpu.memory_space<hbm>>
      %dma_wait3A_86 = tpu.memref_squeeze %dma_wait3A_85 : memref<1x32x1x128xf32, #tpu.memory_space<hbm>> -> memref<32x128xf32, #tpu.memory_space<hbm>>
      tpu.wait_dma2 semaphore(%arg18 : memref<!tpu.dma_semaphore, #tpu.memory_space<semaphore_mem>>) src(%dma_wait3A_86 : memref<32x128xf32, #tpu.memory_space<hbm>>) dst(%arg6 : memref<32x128xf32, #tpu.memory_space<vmem>>)
      %dma_wait3A_87 = arith.constant 0 : i32
      %dma_wait3A_88 = arith.constant 0 : i32
      %dma_wait3A_89 = arith.constant 0 : i32
      %dma_wait3A_90 = arith.constant 0 : i32
      %dma_wait3A_91 = tpu.memref_slice %arg2[%dma_wait3A_87, %dma_wait3A_89, %dma_wait3A_88, %dma_wait3A_90] : memref<2x8192x8x128xf32, #tpu.memory_space<hbm>> -> memref<1x32x1x128xf32, #tpu.memory_space<hbm>>
      %dma_wait3A_92 = tpu.memref_squeeze %dma_wait3A_91 : memref<1x32x1x128xf32, #tpu.memory_space<hbm>> -> memref<32x128xf32, #tpu.memory_space<hbm>>
      %dma_wait3A_93 = arith.constant 0 : i32
      %dma_wait3A_94 = arith.constant 0 : i32
      %dma_wait3A_95 = tpu.memref_slice %arg2[%dma_wait3A_87, %dma_wait3A_93, %dma_wait3A_88, %dma_wait3A_94] : memref<2x8192x8x128xf32, #tpu.memory_space<hbm>> -> memref<1x32x1x128xf32, #tpu.memory_space<hbm>>
      %dma_wait3A_96 = tpu.memref_squeeze %dma_wait3A_95 : memref<1x32x1x128xf32, #tpu.memory_space<hbm>> -> memref<32x128xf32, #tpu.memory_space<hbm>>
      tpu.wait_dma2 semaphore(%arg18 : memref<!tpu.dma_semaphore, #tpu.memory_space<semaphore_mem>>) src(%dma_wait3A_96 : memref<32x128xf32, #tpu.memory_space<hbm>>) dst(%arg7 : memref<32x128xf32, #tpu.memory_space<vmem>>)
      %dma_wait3A_97 = arith.constant 0 : i32
      %dma_wait3A_98 = arith.constant 0 : i32
      %dma_wait3A_99 = arith.constant 0 : i32
      %dma_wait3A_100 = arith.constant 0 : i32
      %dma_wait3A_101 = tpu.memref_slice %arg2[%dma_wait3A_97, %dma_wait3A_99, %dma_wait3A_98, %dma_wait3A_100] : memref<2x8192x8x128xf32, #tpu.memory_space<hbm>> -> memref<1x32x1x128xf32, #tpu.memory_space<hbm>>
      %dma_wait3A_102 = tpu.memref_squeeze %dma_wait3A_101 : memref<1x32x1x128xf32, #tpu.memory_space<hbm>> -> memref<32x128xf32, #tpu.memory_space<hbm>>
      %dma_wait3A_103 = arith.constant 0 : i32
      %dma_wait3A_104 = arith.constant 0 : i32
      %dma_wait3A_105 = tpu.memref_slice %arg2[%dma_wait3A_97, %dma_wait3A_103, %dma_wait3A_98, %dma_wait3A_104] : memref<2x8192x8x128xf32, #tpu.memory_space<hbm>> -> memref<1x32x1x128xf32, #tpu.memory_space<hbm>>
      %dma_wait3A_106 = tpu.memref_squeeze %dma_wait3A_105 : memref<1x32x1x128xf32, #tpu.memory_space<hbm>> -> memref<32x128xf32, #tpu.memory_space<hbm>>
      tpu.wait_dma2 semaphore(%arg18 : memref<!tpu.dma_semaphore, #tpu.memory_space<semaphore_mem>>) src(%dma_wait3A_106 : memref<32x128xf32, #tpu.memory_space<hbm>>) dst(%arg8 : memref<32x128xf32, #tpu.memory_space<vmem>>)
      %dma_wait3A_107 = arith.constant 0 : i32
      %dma_wait3A_108 = arith.constant 0 : i32
      %dma_wait3A_109 = arith.constant 0 : i32
      %dma_wait3A_110 = arith.constant 0 : i32
      %dma_wait3A_111 = tpu.memref_slice %arg2[%dma_wait3A_107, %dma_wait3A_109, %dma_wait3A_108, %dma_wait3A_110] : memref<2x8192x8x128xf32, #tpu.memory_space<hbm>> -> memref<1x32x1x128xf32, #tpu.memory_space<hbm>>
      %dma_wait3A_112 = tpu.memref_squeeze %dma_wait3A_111 : memref<1x32x1x128xf32, #tpu.memory_space<hbm>> -> memref<32x128xf32, #tpu.memory_space<hbm>>
      %dma_wait3A_113 = arith.constant 0 : i32
      %dma_wait3A_114 = arith.constant 0 : i32
      %dma_wait3A_115 = tpu.memref_slice %arg2[%dma_wait3A_107, %dma_wait3A_113, %dma_wait3A_108, %dma_wait3A_114] : memref<2x8192x8x128xf32, #tpu.memory_space<hbm>> -> memref<1x32x1x128xf32, #tpu.memory_space<hbm>>
      %dma_wait3A_116 = tpu.memref_squeeze %dma_wait3A_115 : memref<1x32x1x128xf32, #tpu.memory_space<hbm>> -> memref<32x128xf32, #tpu.memory_space<hbm>>
      tpu.wait_dma2 semaphore(%arg18 : memref<!tpu.dma_semaphore, #tpu.memory_space<semaphore_mem>>) src(%dma_wait3A_116 : memref<32x128xf32, #tpu.memory_space<hbm>>) dst(%arg9 : memref<32x128xf32, #tpu.memory_space<vmem>>)
      %parallel_loop3A = arith.constant 0 : i32
      %parallel_loop3A_117 = arith.constant 256 : i32
      %parallel_loop3A_118 = arith.constant 1 : i32
      scf.for %parallel_loop3A_177 = %parallel_loop3A to %parallel_loop3A_117 step %parallel_loop3A_118  : i32 {
        %parallel_loop3A_178 = arith.constant 8 : i32
        %parallel_loop3A_179 = arith.divsi %parallel_loop3A_177, %parallel_loop3A_178 : i32
        %parallel_loop3A_180 = arith.constant 0 : i32
        %parallel_loop3A_181 = arith.cmpi sgt, %parallel_loop3A_177, %parallel_loop3A_180 : i32
        %parallel_loop3A_182 = arith.extui %parallel_loop3A_181 : i1 to i32
        %parallel_loop3A_183 = arith.constant 0 : i32
        %parallel_loop3A_184 = arith.cmpi slt, %parallel_loop3A_177, %parallel_loop3A_183 : i32
        %parallel_loop3A_185 = arith.extui %parallel_loop3A_184 : i1 to i32
        %parallel_loop3A_186 = arith.subi %parallel_loop3A_182, %parallel_loop3A_185 : i32
        %parallel_loop3A_187 = arith.constant 0 : i32
        %parallel_loop3A_188 = arith.cmpi sgt, %parallel_loop3A_178, %parallel_loop3A_187 : i32
        %parallel_loop3A_189 = arith.extui %parallel_loop3A_188 : i1 to i32
        %parallel_loop3A_190 = arith.constant 0 : i32
        %parallel_loop3A_191 = arith.cmpi slt, %parallel_loop3A_178, %parallel_loop3A_190 : i32
        %parallel_loop3A_192 = arith.extui %parallel_loop3A_191 : i1 to i32
        %parallel_loop3A_193 = arith.subi %parallel_loop3A_189, %parallel_loop3A_192 : i32
        %parallel_loop3A_194 = arith.cmpi ne, %parallel_loop3A_186, %parallel_loop3A_193 : i32
        %parallel_loop3A_195 = arith.remsi %parallel_loop3A_177, %parallel_loop3A_178 : i32
        %parallel_loop3A_196 = arith.constant 0 : i32
        %parallel_loop3A_197 = arith.cmpi ne, %parallel_loop3A_195, %parallel_loop3A_196 : i32
        %parallel_loop3A_198 = arith.andi %parallel_loop3A_194, %parallel_loop3A_197 : i1
        %parallel_loop3A_199 = arith.constant 1 : i32
        %parallel_loop3A_200 = arith.subi %parallel_loop3A_179, %parallel_loop3A_199 : i32
        %parallel_loop3A_201 = arith.select %parallel_loop3A_198, %parallel_loop3A_200, %parallel_loop3A_179 : i32
        %parallel_loop3A_202 = arith.constant 8 : i32
        %parallel_loop3A_203 = arith.constant 0 : i32
        %parallel_loop3A_204 = arith.cmpi eq, %parallel_loop3A_202, %parallel_loop3A_203 : i32
        %parallel_loop3A_205 = arith.constant 1 : i32
        %parallel_loop3A_206 = arith.select %parallel_loop3A_204, %parallel_loop3A_205, %parallel_loop3A_202 : i32
        %parallel_loop3A_207 = arith.remsi %parallel_loop3A_177, %parallel_loop3A_206 : i32
        %parallel_loop3A_208 = arith.constant 0 : i32
        %parallel_loop3A_209 = arith.cmpi ne, %parallel_loop3A_207, %parallel_loop3A_208 : i32
        %parallel_loop3A_210 = arith.constant 0 : i32
        %parallel_loop3A_211 = arith.cmpi slt, %parallel_loop3A_207, %parallel_loop3A_210 : i32
        %parallel_loop3A_212 = arith.constant 0 : i32
        %parallel_loop3A_213 = arith.cmpi slt, %parallel_loop3A_206, %parallel_loop3A_212 : i32
        %parallel_loop3A_214 = arith.xori %parallel_loop3A_211, %parallel_loop3A_213 : i1
        %parallel_loop3A_215 = arith.andi %parallel_loop3A_214, %parallel_loop3A_209 : i1
        %parallel_loop3A_216 = arith.addi %parallel_loop3A_207, %parallel_loop3A_206 : i32
        %parallel_loop3A_217 = arith.select %parallel_loop3A_215, %parallel_loop3A_216, %parallel_loop3A_207 : i32
        %parallel_loop3A_218 = arith.constant 16 : i32
        %parallel_loop3A_219 = arith.muli %parallel_loop3A_217, %parallel_loop3A_218 : i32
        %parallel_loop3A_220 = arith.index_cast %parallel_loop3A_201 : i32 to index
        %parallel_loop3A_221 = arith.index_cast %parallel_loop3A_219 : i32 to index
        %parallel_loop3A_222 = tpu.vector_load %arg6[%parallel_loop3A_220, %parallel_loop3A_221] {strides = array<i32>} : memref<32x128xf32, #tpu.memory_space<vmem>>, vector<16xf32>,
        %parallel_loop3A_223 = arith.index_cast %parallel_loop3A_201 : i32 to index
        %parallel_loop3A_224 = arith.index_cast %parallel_loop3A_219 : i32 to index
        %parallel_loop3A_225 = tpu.vector_load %arg7[%parallel_loop3A_223, %parallel_loop3A_224] {strides = array<i32>} : memref<32x128xf32, #tpu.memory_space<vmem>>, vector<16xf32>,
        %parallel_loop3A_226 = arith.index_cast %parallel_loop3A_201 : i32 to index
        %parallel_loop3A_227 = arith.index_cast %parallel_loop3A_219 : i32 to index
        %parallel_loop3A_228 = tpu.vector_load %arg8[%parallel_loop3A_226, %parallel_loop3A_227] {strides = array<i32>} : memref<32x128xf32, #tpu.memory_space<vmem>>, vector<16xf32>,
        %parallel_loop3A_229 = arith.index_cast %parallel_loop3A_201 : i32 to index
        %parallel_loop3A_230 = arith.index_cast %parallel_loop3A_219 : i32 to index
        %parallel_loop3A_231 = tpu.vector_load %arg9[%parallel_loop3A_229, %parallel_loop3A_230] {strides = array<i32>} : memref<32x128xf32, #tpu.memory_space<vmem>>, vector<16xf32>,
        %parallel_loop3A_232 = arith.constant -3.000000e+01 : f32
        %parallel_loop3A_233 = arith.constant 5.000000e+01 : f32
        %parallel_loop3A_234 = vector.broadcast %parallel_loop3A_232 : f32 to vector<16xf32>
        %parallel_loop3A_235 = arith.maximumf %parallel_loop3A_234, %parallel_loop3A_222 : vector<16xf32>
        %parallel_loop3A_236 = vector.broadcast %parallel_loop3A_233 : f32 to vector<16xf32>
        %parallel_loop3A_237 = arith.minimumf %parallel_loop3A_236, %parallel_loop3A_235 : vector<16xf32>
        %parallel_loop3A_238 = arith.constant 3.000000e+01 : f32
        %parallel_loop3A_239 = vector.broadcast %parallel_loop3A_238 : f32 to vector<16xf32>
        %parallel_loop3A_240 = arith.addf %parallel_loop3A_237, %parallel_loop3A_239 : vector<16xf32>
        %parallel_loop3A_241 = arith.constant 2.000000e-01 : f32
        %parallel_loop3A_242 = vector.broadcast %parallel_loop3A_241 : f32 to vector<16xf32>
        %parallel_loop3A_243 = arith.mulf %parallel_loop3A_240, %parallel_loop3A_242 : vector<16xf32>
        %parallel_loop3A_244 = arith.fptosi %parallel_loop3A_243 : vector<16xf32> to vector<16xi32>
        %parallel_loop3A_245 = tpu.vector_load_idx %arg17[%parallel_loop3A_244] : memref<64xi32, #tpu.memory_space<vmem>>[vector<16xi32>], vector<16xi32>,
        %parallel_loop3A_246 = arith.constant 126 : i32
        %parallel_loop3A_247 = vector.broadcast %parallel_loop3A_246 : i32 to vector<16xi32>
        %parallel_loop3A_248 = arith.addi %parallel_loop3A_245, %parallel_loop3A_247 : vector<16xi32>
        %parallel_loop3A_249 = tpu.vector_load_idx %arg16[%parallel_loop3A_248] : memref<200xf32, #tpu.memory_space<vmem>>[vector<16xi32>], vector<16xf32>,
        %parallel_loop3A_250 = arith.mulf %parallel_loop3A_237, %parallel_loop3A_249 : vector<16xf32>
        %parallel_loop3A_251 = arith.constant 139 : i32
        %parallel_loop3A_252 = vector.broadcast %parallel_loop3A_251 : i32 to vector<16xi32>
        %parallel_loop3A_253 = arith.addi %parallel_loop3A_245, %parallel_loop3A_252 : vector<16xi32>
        %parallel_loop3A_254 = tpu.vector_load_idx %arg16[%parallel_loop3A_253] : memref<200xf32, #tpu.memory_space<vmem>>[vector<16xi32>], vector<16xf32>,
        %parallel_loop3A_255 = arith.addf %parallel_loop3A_250, %parallel_loop3A_254 : vector<16xf32>
        %parallel_loop3A_256 = arith.constant -2.000000e+01 : f32
        %parallel_loop3A_257 = arith.constant 4.500000e+01 : f32
        %parallel_loop3A_258 = vector.broadcast %parallel_loop3A_256 : f32 to vector<16xf32>
        %parallel_loop3A_259 = arith.maximumf %parallel_loop3A_258, %parallel_loop3A_222 : vector<16xf32>
        %parallel_loop3A_260 = vector.broadcast %parallel_loop3A_257 : f32 to vector<16xf32>
        %parallel_loop3A_261 = arith.minimumf %parallel_loop3A_260, %parallel_loop3A_259 : vector<16xf32>
        %parallel_loop3A_262 = arith.constant 2.000000e+01 : f32
        %parallel_loop3A_263 = vector.broadcast %parallel_loop3A_262 : f32 to vector<16xf32>
        %parallel_loop3A_264 = arith.addf %parallel_loop3A_261, %parallel_loop3A_263 : vector<16xf32>
        %parallel_loop3A_265 = arith.constant 2.000000e-01 : f32
        %parallel_loop3A_266 = vector.broadcast %parallel_loop3A_265 : f32 to vector<16xf32>
        %parallel_loop3A_267 = arith.mulf %parallel_loop3A_264, %parallel_loop3A_266 : vector<16xf32>
        %parallel_loop3A_268 = arith.fptosi %parallel_loop3A_267 : vector<16xf32> to vector<16xi32>
        %parallel_loop3A_269 = arith.constant 46 : i32
        %parallel_loop3A_270 = vector.broadcast %parallel_loop3A_269 : i32 to vector<16xi32>
        %parallel_loop3A_271 = arith.addi %parallel_loop3A_268, %parallel_loop3A_270 : vector<16xi32>
        %parallel_loop3A_272 = tpu.vector_load_idx %arg17[%parallel_loop3A_271] : memref<64xi32, #tpu.memory_space<vmem>>[vector<16xi32>], vector<16xi32>,
        %parallel_loop3A_273 = arith.constant 168 : i32
        %parallel_loop3A_274 = vector.broadcast %parallel_loop3A_273 : i32 to vector<16xi32>
        %parallel_loop3A_275 = arith.addi %parallel_loop3A_272, %parallel_loop3A_274 : vector<16xi32>
        %parallel_loop3A_276 = tpu.vector_load_idx %arg16[%parallel_loop3A_275] : memref<200xf32, #tpu.memory_space<vmem>>[vector<16xi32>], vector<16xf32>,
        %parallel_loop3A_277 = arith.constant 176 : i32
        %parallel_loop3A_278 = vector.broadcast %parallel_loop3A_277 : i32 to vector<16xi32>
        %parallel_loop3A_279 = arith.addi %parallel_loop3A_272, %parallel_loop3A_278 : vector<16xi32>
        %parallel_loop3A_280 = tpu.vector_load_idx %arg16[%parallel_loop3A_279] : memref<200xf32, #tpu.memory_space<vmem>>[vector<16xi32>], vector<16xf32>,
        %parallel_loop3A_281 = arith.mulf %parallel_loop3A_280, %parallel_loop3A_261 : vector<16xf32>
        %parallel_loop3A_282 = arith.addf %parallel_loop3A_276, %parallel_loop3A_281 : vector<16xf32>
        %parallel_loop3A_283 = arith.constant 1.800000e+01 : f32
        %parallel_loop3A_284 = arith.constant 3.200000e+01 : f32
        %parallel_loop3A_285 = vector.broadcast %parallel_loop3A_283 : f32 to vector<16xf32>
        %parallel_loop3A_286 = arith.maximumf %parallel_loop3A_285, %parallel_loop3A_225 : vector<16xf32>
        %parallel_loop3A_287 = vector.broadcast %parallel_loop3A_284 : f32 to vector<16xf32>
        %parallel_loop3A_288 = arith.minimumf %parallel_loop3A_287, %parallel_loop3A_286 : vector<16xf32>
        %parallel_loop3A_289 = arith.constant 1.800000e+01 : f32
        %parallel_loop3A_290 = vector.broadcast %parallel_loop3A_289 : f32 to vector<16xf32>
        %parallel_loop3A_291 = arith.subf %parallel_loop3A_288, %parallel_loop3A_290 : vector<16xf32>
        %parallel_loop3A_292 = arith.constant 2.000000e+00 : f32
        %parallel_loop3A_293 = vector.broadcast %parallel_loop3A_292 : f32 to vector<16xf32>
        %parallel_loop3A_294 = arith.mulf %parallel_loop3A_291, %parallel_loop3A_293 : vector<16xf32>
        %parallel_loop3A_295 = arith.fptosi %parallel_loop3A_294 : vector<16xf32> to vector<16xi32>
        %parallel_loop3A_296 = arith.constant 17 : i32
        %parallel_loop3A_297 = vector.broadcast %parallel_loop3A_296 : i32 to vector<16xi32>
        %parallel_loop3A_298 = arith.addi %parallel_loop3A_295, %parallel_loop3A_297 : vector<16xi32>
        %parallel_loop3A_299 = tpu.vector_load_idx %arg17[%parallel_loop3A_298] : memref<64xi32, #tpu.memory_space<vmem>>[vector<16xi32>], vector<16xi32>,
        %parallel_loop3A_300 = arith.constant 152 : i32
        %parallel_loop3A_301 = vector.broadcast %parallel_loop3A_300 : i32 to vector<16xi32>
        %parallel_loop3A_302 = arith.addi %parallel_loop3A_299, %parallel_loop3A_301 : vector<16xi32>
        %parallel_loop3A_303 = tpu.vector_load_idx %arg16[%parallel_loop3A_302] : memref<200xf32, #tpu.memory_space<vmem>>[vector<16xi32>], vector<16xf32>,
        %parallel_loop3A_304 = arith.mulf %parallel_loop3A_288, %parallel_loop3A_303 : vector<16xf32>
        %parallel_loop3A_305 = arith.constant 160 : i32
        %parallel_loop3A_306 = vector.broadcast %parallel_loop3A_305 : i32 to vector<16xi32>
        %parallel_loop3A_307 = arith.addi %parallel_loop3A_299, %parallel_loop3A_306 : vector<16xi32>
        %parallel_loop3A_308 = tpu.vector_load_idx %arg16[%parallel_loop3A_307] : memref<200xf32, #tpu.memory_space<vmem>>[vector<16xi32>], vector<16xf32>,
        %parallel_loop3A_309 = arith.addf %parallel_loop3A_304, %parallel_loop3A_308 : vector<16xf32>
        %parallel_loop3A_310 = arith.constant 14 : i32
        %parallel_loop3A_311 = vector.broadcast %parallel_loop3A_310 : i32 to vector<16xi32>
        %parallel_loop3A_312 = arith.muli %parallel_loop3A_299, %parallel_loop3A_311 : vector<16xi32>
        %parallel_loop3A_313 = arith.addi %parallel_loop3A_312, %parallel_loop3A_245 : vector<16xi32>
        %parallel_loop3A_314 = tpu.vector_load_idx %arg16[%parallel_loop3A_313] : memref<200xf32, #tpu.memory_space<vmem>>[vector<16xi32>], vector<16xf32>,
        %parallel_loop3A_315 = arith.constant 1 : i32
        %parallel_loop3A_316 = vector.broadcast %parallel_loop3A_315 : i32 to vector<16xi32>
        %parallel_loop3A_317 = arith.addi %parallel_loop3A_313, %parallel_loop3A_316 : vector<16xi32>
        %parallel_loop3A_318 = tpu.vector_load_idx %arg16[%parallel_loop3A_317] : memref<200xf32, #tpu.memory_space<vmem>>[vector<16xi32>], vector<16xf32>,
        %parallel_loop3A_319 = arith.constant 14 : i32
        %parallel_loop3A_320 = vector.broadcast %parallel_loop3A_319 : i32 to vector<16xi32>
        %parallel_loop3A_321 = arith.addi %parallel_loop3A_313, %parallel_loop3A_320 : vector<16xi32>
        %parallel_loop3A_322 = tpu.vector_load_idx %arg16[%parallel_loop3A_321] : memref<200xf32, #tpu.memory_space<vmem>>[vector<16xi32>], vector<16xf32>,
        %parallel_loop3A_323 = arith.constant 15 : i32
        %parallel_loop3A_324 = vector.broadcast %parallel_loop3A_323 : i32 to vector<16xi32>
        %parallel_loop3A_325 = arith.addi %parallel_loop3A_313, %parallel_loop3A_324 : vector<16xi32>
        %parallel_loop3A_326 = tpu.vector_load_idx %arg16[%parallel_loop3A_325] : memref<200xf32, #tpu.memory_space<vmem>>[vector<16xi32>], vector<16xf32>,
        %parallel_loop3A_327 = arith.subf %parallel_loop3A_318, %parallel_loop3A_314 : vector<16xf32>
        %parallel_loop3A_328 = arith.mulf %parallel_loop3A_255, %parallel_loop3A_327 : vector<16xf32>
        %parallel_loop3A_329 = arith.addf %parallel_loop3A_314, %parallel_loop3A_328 : vector<16xf32>
        %parallel_loop3A_330 = arith.subf %parallel_loop3A_326, %parallel_loop3A_322 : vector<16xf32>
        %parallel_loop3A_331 = arith.mulf %parallel_loop3A_255, %parallel_loop3A_330 : vector<16xf32>
        %parallel_loop3A_332 = arith.addf %parallel_loop3A_322, %parallel_loop3A_331 : vector<16xf32>
        %parallel_loop3A_333 = arith.subf %parallel_loop3A_332, %parallel_loop3A_329 : vector<16xf32>
        %parallel_loop3A_334 = arith.mulf %parallel_loop3A_309, %parallel_loop3A_333 : vector<16xf32>
        %parallel_loop3A_335 = arith.addf %parallel_loop3A_329, %parallel_loop3A_334 : vector<16xf32>
        %parallel_loop3A_336 = arith.constant 1.800000e+01 : f32
        %parallel_loop3A_337 = arith.constant 3.200000e+01 : f32
        %parallel_loop3A_338 = vector.broadcast %parallel_loop3A_336 : f32 to vector<16xf32>
        %parallel_loop3A_339 = arith.maximumf %parallel_loop3A_338, %parallel_loop3A_228 : vector<16xf32>
        %parallel_loop3A_340 = vector.broadcast %parallel_loop3A_337 : f32 to vector<16xf32>
        %parallel_loop3A_341 = arith.minimumf %parallel_loop3A_340, %parallel_loop3A_339 : vector<16xf32>
        %parallel_loop3A_342 = arith.constant 1.800000e+01 : f32
        %parallel_loop3A_343 = vector.broadcast %parallel_loop3A_342 : f32 to vector<16xf32>
        %parallel_loop3A_344 = arith.subf %parallel_loop3A_341, %parallel_loop3A_343 : vector<16xf32>
        %parallel_loop3A_345 = arith.constant 2.000000e+00 : f32
        %parallel_loop3A_346 = vector.broadcast %parallel_loop3A_345 : f32 to vector<16xf32>
        %parallel_loop3A_347 = arith.mulf %parallel_loop3A_344, %parallel_loop3A_346 : vector<16xf32>
        %parallel_loop3A_348 = arith.fptosi %parallel_loop3A_347 : vector<16xf32> to vector<16xi32>
        %parallel_loop3A_349 = arith.constant 17 : i32
        %parallel_loop3A_350 = vector.broadcast %parallel_loop3A_349 : i32 to vector<16xi32>
        %parallel_loop3A_351 = arith.addi %parallel_loop3A_348, %parallel_loop3A_350 : vector<16xi32>
        %parallel_loop3A_352 = tpu.vector_load_idx %arg17[%parallel_loop3A_351] : memref<64xi32, #tpu.memory_space<vmem>>[vector<16xi32>], vector<16xi32>,
        %parallel_loop3A_353 = arith.constant 152 : i32
        %parallel_loop3A_354 = vector.broadcast %parallel_loop3A_353 : i32 to vector<16xi32>
        %parallel_loop3A_355 = arith.addi %parallel_loop3A_352, %parallel_loop3A_354 : vector<16xi32>
        %parallel_loop3A_356 = tpu.vector_load_idx %arg16[%parallel_loop3A_355] : memref<200xf32, #tpu.memory_space<vmem>>[vector<16xi32>], vector<16xf32>,
        %parallel_loop3A_357 = arith.mulf %parallel_loop3A_341, %parallel_loop3A_356 : vector<16xf32>
        %parallel_loop3A_358 = arith.constant 160 : i32
        %parallel_loop3A_359 = vector.broadcast %parallel_loop3A_358 : i32 to vector<16xi32>
        %parallel_loop3A_360 = arith.addi %parallel_loop3A_352, %parallel_loop3A_359 : vector<16xi32>
        %parallel_loop3A_361 = tpu.vector_load_idx %arg16[%parallel_loop3A_360] : memref<200xf32, #tpu.memory_space<vmem>>[vector<16xi32>], vector<16xf32>,
        %parallel_loop3A_362 = arith.addf %parallel_loop3A_357, %parallel_loop3A_361 : vector<16xf32>
        %parallel_loop3A_363 = arith.constant 14 : i32
        %parallel_loop3A_364 = vector.broadcast %parallel_loop3A_363 : i32 to vector<16xi32>
        %parallel_loop3A_365 = arith.muli %parallel_loop3A_352, %parallel_loop3A_364 : vector<16xi32>
        %parallel_loop3A_366 = arith.addi %parallel_loop3A_365, %parallel_loop3A_245 : vector<16xi32>
        %parallel_loop3A_367 = tpu.vector_load_idx %arg16[%parallel_loop3A_366] : memref<200xf32, #tpu.memory_space<vmem>>[vector<16xi32>], vector<16xf32>,
        %parallel_loop3A_368 = arith.constant 1 : i32
        %parallel_loop3A_369 = vector.broadcast %parallel_loop3A_368 : i32 to vector<16xi32>
        %parallel_loop3A_370 = arith.addi %parallel_loop3A_366, %parallel_loop3A_369 : vector<16xi32>
        %parallel_loop3A_371 = tpu.vector_load_idx %arg16[%parallel_loop3A_370] : memref<200xf32, #tpu.memory_space<vmem>>[vector<16xi32>], vector<16xf32>,
        %parallel_loop3A_372 = arith.constant 14 : i32
        %parallel_loop3A_373 = vector.broadcast %parallel_loop3A_372 : i32 to vector<16xi32>
        %parallel_loop3A_374 = arith.addi %parallel_loop3A_366, %parallel_loop3A_373 : vector<16xi32>
        %parallel_loop3A_375 = tpu.vector_load_idx %arg16[%parallel_loop3A_374] : memref<200xf32, #tpu.memory_space<vmem>>[vector<16xi32>], vector<16xf32>,
        %parallel_loop3A_376 = arith.constant 15 : i32
        %parallel_loop3A_377 = vector.broadcast %parallel_loop3A_376 : i32 to vector<16xi32>
        %parallel_loop3A_378 = arith.addi %parallel_loop3A_366, %parallel_loop3A_377 : vector<16xi32>
        %parallel_loop3A_379 = tpu.vector_load_idx %arg16[%parallel_loop3A_378] : memref<200xf32, #tpu.memory_space<vmem>>[vector<16xi32>], vector<16xf32>,
        %parallel_loop3A_380 = arith.subf %parallel_loop3A_371, %parallel_loop3A_367 : vector<16xf32>
        %parallel_loop3A_381 = arith.mulf %parallel_loop3A_255, %parallel_loop3A_380 : vector<16xf32>
        %parallel_loop3A_382 = arith.addf %parallel_loop3A_367, %parallel_loop3A_381 : vector<16xf32>
        %parallel_loop3A_383 = arith.subf %parallel_loop3A_379, %parallel_loop3A_375 : vector<16xf32>
        %parallel_loop3A_384 = arith.mulf %parallel_loop3A_255, %parallel_loop3A_383 : vector<16xf32>
        %parallel_loop3A_385 = arith.addf %parallel_loop3A_375, %parallel_loop3A_384 : vector<16xf32>
        %parallel_loop3A_386 = arith.subf %parallel_loop3A_385, %parallel_loop3A_382 : vector<16xf32>
        %parallel_loop3A_387 = arith.mulf %parallel_loop3A_362, %parallel_loop3A_386 : vector<16xf32>
        %parallel_loop3A_388 = arith.addf %parallel_loop3A_382, %parallel_loop3A_387 : vector<16xf32>
        %parallel_loop3A_389 = arith.minimumf %parallel_loop3A_335, %parallel_loop3A_388 : vector<16xf32>
        %parallel_loop3A_390 = arith.subf %parallel_loop3A_389, %parallel_loop3A_231 : vector<16xf32>
        %parallel_loop3A_391 = arith.constant -2.000000e+01 : f32
        %parallel_loop3A_392 = arith.constant 2.000000e+01 : f32
        %parallel_loop3A_393 = vector.broadcast %parallel_loop3A_391 : f32 to vector<16xf32>
        %parallel_loop3A_394 = arith.maximumf %parallel_loop3A_393, %parallel_loop3A_390 : vector<16xf32>
        %parallel_loop3A_395 = vector.broadcast %parallel_loop3A_392 : f32 to vector<16xf32>
        %parallel_loop3A_396 = arith.minimumf %parallel_loop3A_395, %parallel_loop3A_394 : vector<16xf32>
        %parallel_loop3A_397 = arith.constant 2.000000e+01 : f32
        %parallel_loop3A_398 = vector.broadcast %parallel_loop3A_397 : f32 to vector<16xf32>
        %parallel_loop3A_399 = arith.addf %parallel_loop3A_396, %parallel_loop3A_398 : vector<16xf32>
        %parallel_loop3A_400 = arith.constant 2.000000e-01 : f32
        %parallel_loop3A_401 = vector.broadcast %parallel_loop3A_400 : f32 to vector<16xf32>
        %parallel_loop3A_402 = arith.mulf %parallel_loop3A_399, %parallel_loop3A_401 : vector<16xf32>
        %parallel_loop3A_403 = arith.fptosi %parallel_loop3A_402 : vector<16xf32> to vector<16xi32>
        %parallel_loop3A_404 = arith.constant 7 : i32
        %parallel_loop3A_405 = vector.broadcast %parallel_loop3A_404 : i32 to vector<16xi32>
        %parallel_loop3A_406 = arith.minsi %parallel_loop3A_403, %parallel_loop3A_405 : vector<16xi32>
        %parallel_loop3A_407 = arith.constant 184 : i32
        %parallel_loop3A_408 = vector.broadcast %parallel_loop3A_407 : i32 to vector<16xi32>
        %parallel_loop3A_409 = arith.addi %parallel_loop3A_406, %parallel_loop3A_408 : vector<16xi32>
        %parallel_loop3A_410 = tpu.vector_load_idx %arg16[%parallel_loop3A_409] : memref<200xf32, #tpu.memory_space<vmem>>[vector<16xi32>], vector<16xf32>,
        %parallel_loop3A_411 = arith.constant 192 : i32
        %parallel_loop3A_412 = vector.broadcast %parallel_loop3A_411 : i32 to vector<16xi32>
        %parallel_loop3A_413 = arith.addi %parallel_loop3A_406, %parallel_loop3A_412 : vector<16xi32>
        %parallel_loop3A_414 = tpu.vector_load_idx %arg16[%parallel_loop3A_413] : memref<200xf32, #tpu.memory_space<vmem>>[vector<16xi32>], vector<16xf32>,
        %parallel_loop3A_415 = arith.mulf %parallel_loop3A_414, %parallel_loop3A_396 : vector<16xf32>
        %parallel_loop3A_416 = arith.addf %parallel_loop3A_410, %parallel_loop3A_415 : vector<16xf32>
        %parallel_loop3A_417 = arith.minimumf %parallel_loop3A_282, %parallel_loop3A_416 : vector<16xf32>
        %parallel_loop3A_418 = arith.index_cast %parallel_loop3A_201 : i32 to index
        %parallel_loop3A_419 = arith.index_cast %parallel_loop3A_219 : i32 to index
        %parallel_loop3A_420 = tpu.vector_load %arg14[%parallel_loop3A_418, %parallel_loop3A_419] {strides = array<i32>} : memref<32x128xf32, #tpu.memory_space<vmem>>, vector<16xf32>,
        tpu.vector_store %arg14[%parallel_loop3A_418, %parallel_loop3A_419], %parallel_loop3A_417 {strides = array<i32>} : memref<32x128xf32, #tpu.memory_space<vmem>>, vector<16xf32>,
      } {sc.loop_unroll_factor = 1 : i64, sc.parallel_access}
      %lt3A = arith.constant 3 : i32
      %lt3A_119 = arith.cmpi slt, %scan3A_75, %lt3A : i32
      %convert_element_type3A = arith.extui %lt3A_119 : i1 to i32
      %cond3A = arith.constant 0 : i32
      %cond3A_120 = arith.cmpi ne, %convert_element_type3A, %cond3A : i32
      scf.if %cond3A_120 {
        %add3A_177 = arith.constant 2 : i32
        %add3A_178 = arith.addi %mul3A_77, %add3A_177 : i32
        %mul3A_179 = arith.constant 32 : i32
        %mul3A_180 = arith.muli %add3A_178, %mul3A_179 : i32
        %add3A_181 = arith.addi %mul3A_2, %mul3A_180 : i32
        %dma_start3A_182 = arith.constant 0 : i32
        %dma_start3A_183 = arith.constant 1 : i32
        %dma_start3A_184 = arith.constant 0 : i32
        %dma_start3A_185 = tpu.memref_slice %arg2[%dma_start3A_182, %add3A_181, %dma_start3A_183, %dma_start3A_184] : memref<2x8192x8x128xf32, #tpu.memory_space<hbm>> -> memref<1x32x1x128xf32, #tpu.memory_space<hbm>>
        %dma_start3A_186 = tpu.memref_squeeze %dma_start3A_185 : memref<1x32x1x128xf32, #tpu.memory_space<hbm>> -> memref<32x128xf32, #tpu.memory_space<hbm>>
        %dma_start3A_187 = arith.constant 0 : i32
        %dma_start3A_188 = tpu.memref_slice %arg2[%dma_start3A_182, %add3A_181, %dma_start3A_183, %dma_start3A_187] : memref<2x8192x8x128xf32, #tpu.memory_space<hbm>> -> memref<1x32x1x128xf32, #tpu.memory_space<hbm>>
        %dma_start3A_189 = tpu.memref_squeeze %dma_start3A_188 : memref<1x32x1x128xf32, #tpu.memory_space<hbm>> -> memref<32x128xf32, #tpu.memory_space<hbm>>
        tpu.enqueue_dma source(%dma_start3A_189 : memref<32x128xf32, #tpu.memory_space<hbm>>) target(%arg6 : memref<32x128xf32, #tpu.memory_space<vmem>>) target_semaphore(%arg18 : memref<!tpu.dma_semaphore, #tpu.memory_space<semaphore_mem>>)
        %dma_start3A_190 = arith.constant 0 : i32
        %dma_start3A_191 = arith.constant 2 : i32
        %dma_start3A_192 = arith.constant 0 : i32
        %dma_start3A_193 = tpu.memref_slice %arg2[%dma_start3A_190, %add3A_181, %dma_start3A_191, %dma_start3A_192] : memref<2x8192x8x128xf32, #tpu.memory_space<hbm>> -> memref<1x32x1x128xf32, #tpu.memory_space<hbm>>
        %dma_start3A_194 = tpu.memref_squeeze %dma_start3A_193 : memref<1x32x1x128xf32, #tpu.memory_space<hbm>> -> memref<32x128xf32, #tpu.memory_space<hbm>>
        %dma_start3A_195 = arith.constant 0 : i32
        %dma_start3A_196 = tpu.memref_slice %arg2[%dma_start3A_190, %add3A_181, %dma_start3A_191, %dma_start3A_195] : memref<2x8192x8x128xf32, #tpu.memory_space<hbm>> -> memref<1x32x1x128xf32, #tpu.memory_space<hbm>>
        %dma_start3A_197 = tpu.memref_squeeze %dma_start3A_196 : memref<1x32x1x128xf32, #tpu.memory_space<hbm>> -> memref<32x128xf32, #tpu.memory_space<hbm>>
        tpu.enqueue_dma source(%dma_start3A_197 : memref<32x128xf32, #tpu.memory_space<hbm>>) target(%arg7 : memref<32x128xf32, #tpu.memory_space<vmem>>) target_semaphore(%arg18 : memref<!tpu.dma_semaphore, #tpu.memory_space<semaphore_mem>>)
        %dma_start3A_198 = arith.constant 0 : i32
        %dma_start3A_199 = arith.constant 3 : i32
        %dma_start3A_200 = arith.constant 0 : i32
        %dma_start3A_201 = tpu.memref_slice %arg2[%dma_start3A_198, %add3A_181, %dma_start3A_199, %dma_start3A_200] : memref<2x8192x8x128xf32, #tpu.memory_space<hbm>> -> memref<1x32x1x128xf32, #tpu.memory_space<hbm>>
        %dma_start3A_202 = tpu.memref_squeeze %dma_start3A_201 : memref<1x32x1x128xf32, #tpu.memory_space<hbm>> -> memref<32x128xf32, #tpu.memory_space<hbm>>
        %dma_start3A_203 = arith.constant 0 : i32
        %dma_start3A_204 = tpu.memref_slice %arg2[%dma_start3A_198, %add3A_181, %dma_start3A_199, %dma_start3A_203] : memref<2x8192x8x128xf32, #tpu.memory_space<hbm>> -> memref<1x32x1x128xf32, #tpu.memory_space<hbm>>
        %dma_start3A_205 = tpu.memref_squeeze %dma_start3A_204 : memref<1x32x1x128xf32, #tpu.memory_space<hbm>> -> memref<32x128xf32, #tpu.memory_space<hbm>>
        tpu.enqueue_dma source(%dma_start3A_205 : memref<32x128xf32, #tpu.memory_space<hbm>>) target(%arg8 : memref<32x128xf32, #tpu.memory_space<vmem>>) target_semaphore(%arg18 : memref<!tpu.dma_semaphore, #tpu.memory_space<semaphore_mem>>)
        %dma_start3A_206 = arith.constant 1 : i32
        %dma_start3A_207 = arith.constant 0 : i32
        %dma_start3A_208 = arith.constant 0 : i32
        %dma_start3A_209 = tpu.memref_slice %arg2[%dma_start3A_206, %add3A_181, %dma_start3A_207, %dma_start3A_208] : memref<2x8192x8x128xf32, #tpu.memory_space<hbm>> -> memref<1x32x1x128xf32, #tpu.memory_space<hbm>>
        %dma_start3A_210 = tpu.memref_squeeze %dma_start3A_209 : memref<1x32x1x128xf32, #tpu.memory_space<hbm>> -> memref<32x128xf32, #tpu.memory_space<hbm>>
        %dma_start3A_211 = arith.constant 0 : i32
        %dma_start3A_212 = tpu.memref_slice %arg2[%dma_start3A_206, %add3A_181, %dma_start3A_207, %dma_start3A_211] : memref<2x8192x8x128xf32, #tpu.memory_space<hbm>> -> memref<1x32x1x128xf32, #tpu.memory_space<hbm>>
        %dma_start3A_213 = tpu.memref_squeeze %dma_start3A_212 : memref<1x32x1x128xf32, #tpu.memory_space<hbm>> -> memref<32x128xf32, #tpu.memory_space<hbm>>
        tpu.enqueue_dma source(%dma_start3A_213 : memref<32x128xf32, #tpu.memory_space<hbm>>) target(%arg9 : memref<32x128xf32, #tpu.memory_space<vmem>>) target_semaphore(%arg18 : memref<!tpu.dma_semaphore, #tpu.memory_space<semaphore_mem>>)
      } else {
      }
      %mul3A_121 = arith.constant 32 : i32
      %mul3A_122 = arith.muli %mul3A_77, %mul3A_121 : i32
      %add3A_123 = arith.addi %mul3A_2, %mul3A_122 : i32
      "tpu.region"() ({
        %run_scoped3A = tpu.sem_alloc : memref<!tpu.dma_semaphore, #tpu.memory_space<semaphore_mem>>
        %dma_start3A_177 = arith.constant 0 : i32
        %dma_start3A_178 = tpu.memref_slice %arg5[%add3A_123, %dma_start3A_177] : memref<8192x128xf32, #tpu.memory_space<hbm>> -> memref<32x128xf32, #tpu.memory_space<hbm>>
        %dma_start3A_179 = arith.constant 0 : i32
        %dma_start3A_180 = tpu.memref_slice %arg5[%add3A_123, %dma_start3A_179] : memref<8192x128xf32, #tpu.memory_space<hbm>> -> memref<32x128xf32, #tpu.memory_space<hbm>>
        tpu.enqueue_dma source(%arg14 : memref<32x128xf32, #tpu.memory_space<vmem>>) target(%dma_start3A_180 : memref<32x128xf32, #tpu.memory_space<hbm>>) target_semaphore(%run_scoped3A : memref<!tpu.dma_semaphore, #tpu.memory_space<semaphore_mem>>)
        %dma_wait3A_181 = arith.constant 0 : i32
        %dma_wait3A_182 = tpu.memref_slice %arg5[%add3A_123, %dma_wait3A_181] : memref<8192x128xf32, #tpu.memory_space<hbm>> -> memref<32x128xf32, #tpu.memory_space<hbm>>
        %dma_wait3A_183 = arith.constant 0 : i32
        %dma_wait3A_184 = tpu.memref_slice %arg5[%add3A_123, %dma_wait3A_183] : memref<8192x128xf32, #tpu.memory_space<hbm>> -> memref<32x128xf32, #tpu.memory_space<hbm>>
        tpu.wait_dma2 semaphore(%run_scoped3A : memref<!tpu.dma_semaphore, #tpu.memory_space<semaphore_mem>>) src(%arg14 : memref<32x128xf32, #tpu.memory_space<vmem>>) dst(%dma_wait3A_184 : memref<32x128xf32, #tpu.memory_space<hbm>>)
        tpu.yield
      }) : () -> ()
      %dma_wait3A_124 = arith.constant 0 : i32
      %dma_wait3A_125 = arith.constant 0 : i32
      %dma_wait3A_126 = arith.constant 0 : i32
      %dma_wait3A_127 = arith.constant 0 : i32
      %dma_wait3A_128 = tpu.memref_slice %arg2[%dma_wait3A_124, %dma_wait3A_126, %dma_wait3A_125, %dma_wait3A_127] : memref<2x8192x8x128xf32, #tpu.memory_space<hbm>> -> memref<1x32x1x128xf32, #tpu.memory_space<hbm>>
      %dma_wait3A_129 = tpu.memref_squeeze %dma_wait3A_128 : memref<1x32x1x128xf32, #tpu.memory_space<hbm>> -> memref<32x128xf32, #tpu.memory_space<hbm>>
      %dma_wait3A_130 = arith.constant 0 : i32
      %dma_wait3A_131 = arith.constant 0 : i32
      %dma_wait3A_132 = tpu.memref_slice %arg2[%dma_wait3A_124, %dma_wait3A_130, %dma_wait3A_125, %dma_wait3A_131] : memref<2x8192x8x128xf32, #tpu.memory_space<hbm>> -> memref<1x32x1x128xf32, #tpu.memory_space<hbm>>
      %dma_wait3A_133 = tpu.memref_squeeze %dma_wait3A_132 : memref<1x32x1x128xf32, #tpu.memory_space<hbm>> -> memref<32x128xf32, #tpu.memory_space<hbm>>
      tpu.wait_dma2 semaphore(%arg19 : memref<!tpu.dma_semaphore, #tpu.memory_space<semaphore_mem>>) src(%dma_wait3A_133 : memref<32x128xf32, #tpu.memory_space<hbm>>) dst(%arg10 : memref<32x128xf32, #tpu.memory_space<vmem>>)
      %dma_wait3A_134 = arith.constant 0 : i32
      %dma_wait3A_135 = arith.constant 0 : i32
      %dma_wait3A_136 = arith.constant 0 : i32
      %dma_wait3A_137 = arith.constant 0 : i32
      %dma_wait3A_138 = tpu.memref_slice %arg2[%dma_wait3A_134, %dma_wait3A_136, %dma_wait3A_135, %dma_wait3A_137] : memref<2x8192x8x128xf32, #tpu.memory_space<hbm>> -> memref<1x32x1x128xf32, #tpu.memory_space<hbm>>
      %dma_wait3A_139 = tpu.memref_squeeze %dma_wait3A_138 : memref<1x32x1x128xf32, #tpu.memory_space<hbm>> -> memref<32x128xf32, #tpu.memory_space<hbm>>
      %dma_wait3A_140 = arith.constant 0 : i32
      %dma_wait3A_141 = arith.constant 0 : i32
      %dma_wait3A_142 = tpu.memref_slice %arg2[%dma_wait3A_134, %dma_wait3A_140, %dma_wait3A_135, %dma_wait3A_141] : memref<2x8192x8x128xf32, #tpu.memory_space<hbm>> -> memref<1x32x1x128xf32, #tpu.memory_space<hbm>>
      %dma_wait3A_143 = tpu.memref_squeeze %dma_wait3A_142 : memref<1x32x1x128xf32, #tpu.memory_space<hbm>> -> memref<32x128xf32, #tpu.memory_space<hbm>>
      tpu.wait_dma2 semaphore(%arg19 : memref<!tpu.dma_semaphore, #tpu.memory_space<semaphore_mem>>) src(%dma_wait3A_143 : memref<32x128xf32, #tpu.memory_space<hbm>>) dst(%arg11 : memref<32x128xf32, #tpu.memory_space<vmem>>)
      %dma_wait3A_144 = arith.constant 0 : i32
      %dma_wait3A_145 = arith.constant 0 : i32
      %dma_wait3A_146 = arith.constant 0 : i32
      %dma_wait3A_147 = arith.constant 0 : i32
      %dma_wait3A_148 = tpu.memref_slice %arg2[%dma_wait3A_144, %dma_wait3A_146, %dma_wait3A_145, %dma_wait3A_147] : memref<2x8192x8x128xf32, #tpu.memory_space<hbm>> -> memref<1x32x1x128xf32, #tpu.memory_space<hbm>>
      %dma_wait3A_149 = tpu.memref_squeeze %dma_wait3A_148 : memref<1x32x1x128xf32, #tpu.memory_space<hbm>> -> memref<32x128xf32, #tpu.memory_space<hbm>>
      %dma_wait3A_150 = arith.constant 0 : i32
      %dma_wait3A_151 = arith.constant 0 : i32
      %dma_wait3A_152 = tpu.memref_slice %arg2[%dma_wait3A_144, %dma_wait3A_150, %dma_wait3A_145, %dma_wait3A_151] : memref<2x8192x8x128xf32, #tpu.memory_space<hbm>> -> memref<1x32x1x128xf32, #tpu.memory_space<hbm>>
      %dma_wait3A_153 = tpu.memref_squeeze %dma_wait3A_152 : memref<1x32x1x128xf32, #tpu.memory_space<hbm>> -> memref<32x128xf32, #tpu.memory_space<hbm>>
      tpu.wait_dma2 semaphore(%arg19 : memref<!tpu.dma_semaphore, #tpu.memory_space<semaphore_mem>>) src(%dma_wait3A_153 : memref<32x128xf32, #tpu.memory_space<hbm>>) dst(%arg12 : memref<32x128xf32, #tpu.memory_space<vmem>>)
      %dma_wait3A_154 = arith.constant 0 : i32
      %dma_wait3A_155 = arith.constant 0 : i32
      %dma_wait3A_156 = arith.constant 0 : i32
      %dma_wait3A_157 = arith.constant 0 : i32
      %dma_wait3A_158 = tpu.memref_slice %arg2[%dma_wait3A_154, %dma_wait3A_156, %dma_wait3A_155, %dma_wait3A_157] : memref<2x8192x8x128xf32, #tpu.memory_space<hbm>> -> memref<1x32x1x128xf32, #tpu.memory_space<hbm>>
      %dma_wait3A_159 = tpu.memref_squeeze %dma_wait3A_158 : memref<1x32x1x128xf32, #tpu.memory_space<hbm>> -> memref<32x128xf32, #tpu.memory_space<hbm>>
      %dma_wait3A_160 = arith.constant 0 : i32
      %dma_wait3A_161 = arith.constant 0 : i32
      %dma_wait3A_162 = tpu.memref_slice %arg2[%dma_wait3A_154, %dma_wait3A_160, %dma_wait3A_155, %dma_wait3A_161] : memref<2x8192x8x128xf32, #tpu.memory_space<hbm>> -> memref<1x32x1x128xf32, #tpu.memory_space<hbm>>
      %dma_wait3A_163 = tpu.memref_squeeze %dma_wait3A_162 : memref<1x32x1x128xf32, #tpu.memory_space<hbm>> -> memref<32x128xf32, #tpu.memory_space<hbm>>
      tpu.wait_dma2 semaphore(%arg19 : memref<!tpu.dma_semaphore, #tpu.memory_space<semaphore_mem>>) src(%dma_wait3A_163 : memref<32x128xf32, #tpu.memory_space<hbm>>) dst(%arg13 : memref<32x128xf32, #tpu.memory_space<vmem>>)
      %parallel_loop3A_164 = arith.constant 0 : i32
      %parallel_loop3A_165 = arith.constant 256 : i32
      %parallel_loop3A_166 = arith.constant 1 : i32
      scf.for %parallel_loop3A_177 = %parallel_loop3A_164 to %parallel_loop3A_165 step %parallel_loop3A_166  : i32 {
        %parallel_loop3A_178 = arith.constant 8 : i32
        %parallel_loop3A_179 = arith.divsi %parallel_loop3A_177, %parallel_loop3A_178 : i32
        %parallel_loop3A_180 = arith.constant 0 : i32
        %parallel_loop3A_181 = arith.cmpi sgt, %parallel_loop3A_177, %parallel_loop3A_180 : i32
        %parallel_loop3A_182 = arith.extui %parallel_loop3A_181 : i1 to i32
        %parallel_loop3A_183 = arith.constant 0 : i32
        %parallel_loop3A_184 = arith.cmpi slt, %parallel_loop3A_177, %parallel_loop3A_183 : i32
        %parallel_loop3A_185 = arith.extui %parallel_loop3A_184 : i1 to i32
        %parallel_loop3A_186 = arith.subi %parallel_loop3A_182, %parallel_loop3A_185 : i32
        %parallel_loop3A_187 = arith.constant 0 : i32
        %parallel_loop3A_188 = arith.cmpi sgt, %parallel_loop3A_178, %parallel_loop3A_187 : i32
        %parallel_loop3A_189 = arith.extui %parallel_loop3A_188 : i1 to i32
        %parallel_loop3A_190 = arith.constant 0 : i32
        %parallel_loop3A_191 = arith.cmpi slt, %parallel_loop3A_178, %parallel_loop3A_190 : i32
        %parallel_loop3A_192 = arith.extui %parallel_loop3A_191 : i1 to i32
        %parallel_loop3A_193 = arith.subi %parallel_loop3A_189, %parallel_loop3A_192 : i32
        %parallel_loop3A_194 = arith.cmpi ne, %parallel_loop3A_186, %parallel_loop3A_193 : i32
        %parallel_loop3A_195 = arith.remsi %parallel_loop3A_177, %parallel_loop3A_178 : i32
        %parallel_loop3A_196 = arith.constant 0 : i32
        %parallel_loop3A_197 = arith.cmpi ne, %parallel_loop3A_195, %parallel_loop3A_196 : i32
        %parallel_loop3A_198 = arith.andi %parallel_loop3A_194, %parallel_loop3A_197 : i1
        %parallel_loop3A_199 = arith.constant 1 : i32
        %parallel_loop3A_200 = arith.subi %parallel_loop3A_179, %parallel_loop3A_199 : i32
        %parallel_loop3A_201 = arith.select %parallel_loop3A_198, %parallel_loop3A_200, %parallel_loop3A_179 : i32
        %parallel_loop3A_202 = arith.constant 8 : i32
        %parallel_loop3A_203 = arith.constant 0 : i32
        %parallel_loop3A_204 = arith.cmpi eq, %parallel_loop3A_202, %parallel_loop3A_203 : i32
        %parallel_loop3A_205 = arith.constant 1 : i32
        %parallel_loop3A_206 = arith.select %parallel_loop3A_204, %parallel_loop3A_205, %parallel_loop3A_202 : i32
        %parallel_loop3A_207 = arith.remsi %parallel_loop3A_177, %parallel_loop3A_206 : i32
        %parallel_loop3A_208 = arith.constant 0 : i32
        %parallel_loop3A_209 = arith.cmpi ne, %parallel_loop3A_207, %parallel_loop3A_208 : i32
        %parallel_loop3A_210 = arith.constant 0 : i32
        %parallel_loop3A_211 = arith.cmpi slt, %parallel_loop3A_207, %parallel_loop3A_210 : i32
        %parallel_loop3A_212 = arith.constant 0 : i32
        %parallel_loop3A_213 = arith.cmpi slt, %parallel_loop3A_206, %parallel_loop3A_212 : i32
        %parallel_loop3A_214 = arith.xori %parallel_loop3A_211, %parallel_loop3A_213 : i1
        %parallel_loop3A_215 = arith.andi %parallel_loop3A_214, %parallel_loop3A_209 : i1
        %parallel_loop3A_216 = arith.addi %parallel_loop3A_207, %parallel_loop3A_206 : i32
        %parallel_loop3A_217 = arith.select %parallel_loop3A_215, %parallel_loop3A_216, %parallel_loop3A_207 : i32
        %parallel_loop3A_218 = arith.constant 16 : i32
        %parallel_loop3A_219 = arith.muli %parallel_loop3A_217, %parallel_loop3A_218 : i32
        %parallel_loop3A_220 = arith.index_cast %parallel_loop3A_201 : i32 to index
        %parallel_loop3A_221 = arith.index_cast %parallel_loop3A_219 : i32 to index
        %parallel_loop3A_222 = tpu.vector_load %arg10[%parallel_loop3A_220, %parallel_loop3A_221] {strides = array<i32>} : memref<32x128xf32, #tpu.memory_space<vmem>>, vector<16xf32>,
        %parallel_loop3A_223 = arith.index_cast %parallel_loop3A_201 : i32 to index
        %parallel_loop3A_224 = arith.index_cast %parallel_loop3A_219 : i32 to index
        %parallel_loop3A_225 = tpu.vector_load %arg11[%parallel_loop3A_223, %parallel_loop3A_224] {strides = array<i32>} : memref<32x128xf32, #tpu.memory_space<vmem>>, vector<16xf32>,
        %parallel_loop3A_226 = arith.index_cast %parallel_loop3A_201 : i32 to index
        %parallel_loop3A_227 = arith.index_cast %parallel_loop3A_219 : i32 to index
        %parallel_loop3A_228 = tpu.vector_load %arg12[%parallel_loop3A_226, %parallel_loop3A_227] {strides = array<i32>} : memref<32x128xf32, #tpu.memory_space<vmem>>, vector<16xf32>,
        %parallel_loop3A_229 = arith.index_cast %parallel_loop3A_201 : i32 to index
        %parallel_loop3A_230 = arith.index_cast %parallel_loop3A_219 : i32 to index
        %parallel_loop3A_231 = tpu.vector_load %arg13[%parallel_loop3A_229, %parallel_loop3A_230] {strides = array<i32>} : memref<32x128xf32, #tpu.memory_space<vmem>>, vector<16xf32>,
        %parallel_loop3A_232 = arith.constant -3.000000e+01 : f32
        %parallel_loop3A_233 = arith.constant 5.000000e+01 : f32
        %parallel_loop3A_234 = vector.broadcast %parallel_loop3A_232 : f32 to vector<16xf32>
        %parallel_loop3A_235 = arith.maximumf %parallel_loop3A_234, %parallel_loop3A_222 : vector<16xf32>
        %parallel_loop3A_236 = vector.broadcast %parallel_loop3A_233 : f32 to vector<16xf32>
        %parallel_loop3A_237 = arith.minimumf %parallel_loop3A_236, %parallel_loop3A_235 : vector<16xf32>
        %parallel_loop3A_238 = arith.constant 3.000000e+01 : f32
        %parallel_loop3A_239 = vector.broadcast %parallel_loop3A_238 : f32 to vector<16xf32>
        %parallel_loop3A_240 = arith.addf %parallel_loop3A_237, %parallel_loop3A_239 : vector<16xf32>
        %parallel_loop3A_241 = arith.constant 2.000000e-01 : f32
        %parallel_loop3A_242 = vector.broadcast %parallel_loop3A_241 : f32 to vector<16xf32>
        %parallel_loop3A_243 = arith.mulf %parallel_loop3A_240, %parallel_loop3A_242 : vector<16xf32>
        %parallel_loop3A_244 = arith.fptosi %parallel_loop3A_243 : vector<16xf32> to vector<16xi32>
        %parallel_loop3A_245 = tpu.vector_load_idx %arg17[%parallel_loop3A_244] : memref<64xi32, #tpu.memory_space<vmem>>[vector<16xi32>], vector<16xi32>,
        %parallel_loop3A_246 = arith.constant 126 : i32
        %parallel_loop3A_247 = vector.broadcast %parallel_loop3A_246 : i32 to vector<16xi32>
        %parallel_loop3A_248 = arith.addi %parallel_loop3A_245, %parallel_loop3A_247 : vector<16xi32>
        %parallel_loop3A_249 = tpu.vector_load_idx %arg16[%parallel_loop3A_248] : memref<200xf32, #tpu.memory_space<vmem>>[vector<16xi32>], vector<16xf32>,
        %parallel_loop3A_250 = arith.mulf %parallel_loop3A_237, %parallel_loop3A_249 : vector<16xf32>
        %parallel_loop3A_251 = arith.constant 139 : i32
        %parallel_loop3A_252 = vector.broadcast %parallel_loop3A_251 : i32 to vector<16xi32>
        %parallel_loop3A_253 = arith.addi %parallel_loop3A_245, %parallel_loop3A_252 : vector<16xi32>
        %parallel_loop3A_254 = tpu.vector_load_idx %arg16[%parallel_loop3A_253] : memref<200xf32, #tpu.memory_space<vmem>>[vector<16xi32>], vector<16xf32>,
        %parallel_loop3A_255 = arith.addf %parallel_loop3A_250, %parallel_loop3A_254 : vector<16xf32>
        %parallel_loop3A_256 = arith.constant -2.000000e+01 : f32
        %parallel_loop3A_257 = arith.constant 4.500000e+01 : f32
        %parallel_loop3A_258 = vector.broadcast %parallel_loop3A_256 : f32 to vector<16xf32>
        %parallel_loop3A_259 = arith.maximumf %parallel_loop3A_258, %parallel_loop3A_222 : vector<16xf32>
        %parallel_loop3A_260 = vector.broadcast %parallel_loop3A_257 : f32 to vector<16xf32>
        %parallel_loop3A_261 = arith.minimumf %parallel_loop3A_260, %parallel_loop3A_259 : vector<16xf32>
        %parallel_loop3A_262 = arith.constant 2.000000e+01 : f32
        %parallel_loop3A_263 = vector.broadcast %parallel_loop3A_262 : f32 to vector<16xf32>
        %parallel_loop3A_264 = arith.addf %parallel_loop3A_261, %parallel_loop3A_263 : vector<16xf32>
        %parallel_loop3A_265 = arith.constant 2.000000e-01 : f32
        %parallel_loop3A_266 = vector.broadcast %parallel_loop3A_265 : f32 to vector<16xf32>
        %parallel_loop3A_267 = arith.mulf %parallel_loop3A_264, %parallel_loop3A_266 : vector<16xf32>
        %parallel_loop3A_268 = arith.fptosi %parallel_loop3A_267 : vector<16xf32> to vector<16xi32>
        %parallel_loop3A_269 = arith.constant 46 : i32
        %parallel_loop3A_270 = vector.broadcast %parallel_loop3A_269 : i32 to vector<16xi32>
        %parallel_loop3A_271 = arith.addi %parallel_loop3A_268, %parallel_loop3A_270 : vector<16xi32>
        %parallel_loop3A_272 = tpu.vector_load_idx %arg17[%parallel_loop3A_271] : memref<64xi32, #tpu.memory_space<vmem>>[vector<16xi32>], vector<16xi32>,
        %parallel_loop3A_273 = arith.constant 168 : i32
        %parallel_loop3A_274 = vector.broadcast %parallel_loop3A_273 : i32 to vector<16xi32>
        %parallel_loop3A_275 = arith.addi %parallel_loop3A_272, %parallel_loop3A_274 : vector<16xi32>
        %parallel_loop3A_276 = tpu.vector_load_idx %arg16[%parallel_loop3A_275] : memref<200xf32, #tpu.memory_space<vmem>>[vector<16xi32>], vector<16xf32>,
        %parallel_loop3A_277 = arith.constant 176 : i32
        %parallel_loop3A_278 = vector.broadcast %parallel_loop3A_277 : i32 to vector<16xi32>
        %parallel_loop3A_279 = arith.addi %parallel_loop3A_272, %parallel_loop3A_278 : vector<16xi32>
        %parallel_loop3A_280 = tpu.vector_load_idx %arg16[%parallel_loop3A_279] : memref<200xf32, #tpu.memory_space<vmem>>[vector<16xi32>], vector<16xf32>,
        %parallel_loop3A_281 = arith.mulf %parallel_loop3A_280, %parallel_loop3A_261 : vector<16xf32>
        %parallel_loop3A_282 = arith.addf %parallel_loop3A_276, %parallel_loop3A_281 : vector<16xf32>
        %parallel_loop3A_283 = arith.constant 1.800000e+01 : f32
        %parallel_loop3A_284 = arith.constant 3.200000e+01 : f32
        %parallel_loop3A_285 = vector.broadcast %parallel_loop3A_283 : f32 to vector<16xf32>
        %parallel_loop3A_286 = arith.maximumf %parallel_loop3A_285, %parallel_loop3A_225 : vector<16xf32>
        %parallel_loop3A_287 = vector.broadcast %parallel_loop3A_284 : f32 to vector<16xf32>
        %parallel_loop3A_288 = arith.minimumf %parallel_loop3A_287, %parallel_loop3A_286 : vector<16xf32>
        %parallel_loop3A_289 = arith.constant 1.800000e+01 : f32
        %parallel_loop3A_290 = vector.broadcast %parallel_loop3A_289 : f32 to vector<16xf32>
        %parallel_loop3A_291 = arith.subf %parallel_loop3A_288, %parallel_loop3A_290 : vector<16xf32>
        %parallel_loop3A_292 = arith.constant 2.000000e+00 : f32
        %parallel_loop3A_293 = vector.broadcast %parallel_loop3A_292 : f32 to vector<16xf32>
        %parallel_loop3A_294 = arith.mulf %parallel_loop3A_291, %parallel_loop3A_293 : vector<16xf32>
        %parallel_loop3A_295 = arith.fptosi %parallel_loop3A_294 : vector<16xf32> to vector<16xi32>
        %parallel_loop3A_296 = arith.constant 17 : i32
        %parallel_loop3A_297 = vector.broadcast %parallel_loop3A_296 : i32 to vector<16xi32>
        %parallel_loop3A_298 = arith.addi %parallel_loop3A_295, %parallel_loop3A_297 : vector<16xi32>
        %parallel_loop3A_299 = tpu.vector_load_idx %arg17[%parallel_loop3A_298] : memref<64xi32, #tpu.memory_space<vmem>>[vector<16xi32>], vector<16xi32>,
        %parallel_loop3A_300 = arith.constant 152 : i32
        %parallel_loop3A_301 = vector.broadcast %parallel_loop3A_300 : i32 to vector<16xi32>
        %parallel_loop3A_302 = arith.addi %parallel_loop3A_299, %parallel_loop3A_301 : vector<16xi32>
        %parallel_loop3A_303 = tpu.vector_load_idx %arg16[%parallel_loop3A_302] : memref<200xf32, #tpu.memory_space<vmem>>[vector<16xi32>], vector<16xf32>,
        %parallel_loop3A_304 = arith.mulf %parallel_loop3A_288, %parallel_loop3A_303 : vector<16xf32>
        %parallel_loop3A_305 = arith.constant 160 : i32
        %parallel_loop3A_306 = vector.broadcast %parallel_loop3A_305 : i32 to vector<16xi32>
        %parallel_loop3A_307 = arith.addi %parallel_loop3A_299, %parallel_loop3A_306 : vector<16xi32>
        %parallel_loop3A_308 = tpu.vector_load_idx %arg16[%parallel_loop3A_307] : memref<200xf32, #tpu.memory_space<vmem>>[vector<16xi32>], vector<16xf32>,
        %parallel_loop3A_309 = arith.addf %parallel_loop3A_304, %parallel_loop3A_308 : vector<16xf32>
        %parallel_loop3A_310 = arith.constant 14 : i32
        %parallel_loop3A_311 = vector.broadcast %parallel_loop3A_310 : i32 to vector<16xi32>
        %parallel_loop3A_312 = arith.muli %parallel_loop3A_299, %parallel_loop3A_311 : vector<16xi32>
        %parallel_loop3A_313 = arith.addi %parallel_loop3A_312, %parallel_loop3A_245 : vector<16xi32>
        %parallel_loop3A_314 = tpu.vector_load_idx %arg16[%parallel_loop3A_313] : memref<200xf32, #tpu.memory_space<vmem>>[vector<16xi32>], vector<16xf32>,
        %parallel_loop3A_315 = arith.constant 1 : i32
        %parallel_loop3A_316 = vector.broadcast %parallel_loop3A_315 : i32 to vector<16xi32>
        %parallel_loop3A_317 = arith.addi %parallel_loop3A_313, %parallel_loop3A_316 : vector<16xi32>
        %parallel_loop3A_318 = tpu.vector_load_idx %arg16[%parallel_loop3A_317] : memref<200xf32, #tpu.memory_space<vmem>>[vector<16xi32>], vector<16xf32>,
        %parallel_loop3A_319 = arith.constant 14 : i32
        %parallel_loop3A_320 = vector.broadcast %parallel_loop3A_319 : i32 to vector<16xi32>
        %parallel_loop3A_321 = arith.addi %parallel_loop3A_313, %parallel_loop3A_320 : vector<16xi32>
        %parallel_loop3A_322 = tpu.vector_load_idx %arg16[%parallel_loop3A_321] : memref<200xf32, #tpu.memory_space<vmem>>[vector<16xi32>], vector<16xf32>,
        %parallel_loop3A_323 = arith.constant 15 : i32
        %parallel_loop3A_324 = vector.broadcast %parallel_loop3A_323 : i32 to vector<16xi32>
        %parallel_loop3A_325 = arith.addi %parallel_loop3A_313, %parallel_loop3A_324 : vector<16xi32>
        %parallel_loop3A_326 = tpu.vector_load_idx %arg16[%parallel_loop3A_325] : memref<200xf32, #tpu.memory_space<vmem>>[vector<16xi32>], vector<16xf32>,
        %parallel_loop3A_327 = arith.subf %parallel_loop3A_318, %parallel_loop3A_314 : vector<16xf32>
        %parallel_loop3A_328 = arith.mulf %parallel_loop3A_255, %parallel_loop3A_327 : vector<16xf32>
        %parallel_loop3A_329 = arith.addf %parallel_loop3A_314, %parallel_loop3A_328 : vector<16xf32>
        %parallel_loop3A_330 = arith.subf %parallel_loop3A_326, %parallel_loop3A_322 : vector<16xf32>
        %parallel_loop3A_331 = arith.mulf %parallel_loop3A_255, %parallel_loop3A_330 : vector<16xf32>
        %parallel_loop3A_332 = arith.addf %parallel_loop3A_322, %parallel_loop3A_331 : vector<16xf32>
        %parallel_loop3A_333 = arith.subf %parallel_loop3A_332, %parallel_loop3A_329 : vector<16xf32>
        %parallel_loop3A_334 = arith.mulf %parallel_loop3A_309, %parallel_loop3A_333 : vector<16xf32>
        %parallel_loop3A_335 = arith.addf %parallel_loop3A_329, %parallel_loop3A_334 : vector<16xf32>
        %parallel_loop3A_336 = arith.constant 1.800000e+01 : f32
        %parallel_loop3A_337 = arith.constant 3.200000e+01 : f32
        %parallel_loop3A_338 = vector.broadcast %parallel_loop3A_336 : f32 to vector<16xf32>
        %parallel_loop3A_339 = arith.maximumf %parallel_loop3A_338, %parallel_loop3A_228 : vector<16xf32>
        %parallel_loop3A_340 = vector.broadcast %parallel_loop3A_337 : f32 to vector<16xf32>
        %parallel_loop3A_341 = arith.minimumf %parallel_loop3A_340, %parallel_loop3A_339 : vector<16xf32>
        %parallel_loop3A_342 = arith.constant 1.800000e+01 : f32
        %parallel_loop3A_343 = vector.broadcast %parallel_loop3A_342 : f32 to vector<16xf32>
        %parallel_loop3A_344 = arith.subf %parallel_loop3A_341, %parallel_loop3A_343 : vector<16xf32>
        %parallel_loop3A_345 = arith.constant 2.000000e+00 : f32
        %parallel_loop3A_346 = vector.broadcast %parallel_loop3A_345 : f32 to vector<16xf32>
        %parallel_loop3A_347 = arith.mulf %parallel_loop3A_344, %parallel_loop3A_346 : vector<16xf32>
        %parallel_loop3A_348 = arith.fptosi %parallel_loop3A_347 : vector<16xf32> to vector<16xi32>
        %parallel_loop3A_349 = arith.constant 17 : i32
        %parallel_loop3A_350 = vector.broadcast %parallel_loop3A_349 : i32 to vector<16xi32>
        %parallel_loop3A_351 = arith.addi %parallel_loop3A_348, %parallel_loop3A_350 : vector<16xi32>
        %parallel_loop3A_352 = tpu.vector_load_idx %arg17[%parallel_loop3A_351] : memref<64xi32, #tpu.memory_space<vmem>>[vector<16xi32>], vector<16xi32>,
        %parallel_loop3A_353 = arith.constant 152 : i32
        %parallel_loop3A_354 = vector.broadcast %parallel_loop3A_353 : i32 to vector<16xi32>
        %parallel_loop3A_355 = arith.addi %parallel_loop3A_352, %parallel_loop3A_354 : vector<16xi32>
        %parallel_loop3A_356 = tpu.vector_load_idx %arg16[%parallel_loop3A_355] : memref<200xf32, #tpu.memory_space<vmem>>[vector<16xi32>], vector<16xf32>,
        %parallel_loop3A_357 = arith.mulf %parallel_loop3A_341, %parallel_loop3A_356 : vector<16xf32>
        %parallel_loop3A_358 = arith.constant 160 : i32
        %parallel_loop3A_359 = vector.broadcast %parallel_loop3A_358 : i32 to vector<16xi32>
        %parallel_loop3A_360 = arith.addi %parallel_loop3A_352, %parallel_loop3A_359 : vector<16xi32>
        %parallel_loop3A_361 = tpu.vector_load_idx %arg16[%parallel_loop3A_360] : memref<200xf32, #tpu.memory_space<vmem>>[vector<16xi32>], vector<16xf32>,
        %parallel_loop3A_362 = arith.addf %parallel_loop3A_357, %parallel_loop3A_361 : vector<16xf32>
        %parallel_loop3A_363 = arith.constant 14 : i32
        %parallel_loop3A_364 = vector.broadcast %parallel_loop3A_363 : i32 to vector<16xi32>
        %parallel_loop3A_365 = arith.muli %parallel_loop3A_352, %parallel_loop3A_364 : vector<16xi32>
        %parallel_loop3A_366 = arith.addi %parallel_loop3A_365, %parallel_loop3A_245 : vector<16xi32>
        %parallel_loop3A_367 = tpu.vector_load_idx %arg16[%parallel_loop3A_366] : memref<200xf32, #tpu.memory_space<vmem>>[vector<16xi32>], vector<16xf32>,
        %parallel_loop3A_368 = arith.constant 1 : i32
        %parallel_loop3A_369 = vector.broadcast %parallel_loop3A_368 : i32 to vector<16xi32>
        %parallel_loop3A_370 = arith.addi %parallel_loop3A_366, %parallel_loop3A_369 : vector<16xi32>
        %parallel_loop3A_371 = tpu.vector_load_idx %arg16[%parallel_loop3A_370] : memref<200xf32, #tpu.memory_space<vmem>>[vector<16xi32>], vector<16xf32>,
        %parallel_loop3A_372 = arith.constant 14 : i32
        %parallel_loop3A_373 = vector.broadcast %parallel_loop3A_372 : i32 to vector<16xi32>
        %parallel_loop3A_374 = arith.addi %parallel_loop3A_366, %parallel_loop3A_373 : vector<16xi32>
        %parallel_loop3A_375 = tpu.vector_load_idx %arg16[%parallel_loop3A_374] : memref<200xf32, #tpu.memory_space<vmem>>[vector<16xi32>], vector<16xf32>,
        %parallel_loop3A_376 = arith.constant 15 : i32
        %parallel_loop3A_377 = vector.broadcast %parallel_loop3A_376 : i32 to vector<16xi32>
        %parallel_loop3A_378 = arith.addi %parallel_loop3A_366, %parallel_loop3A_377 : vector<16xi32>
        %parallel_loop3A_379 = tpu.vector_load_idx %arg16[%parallel_loop3A_378] : memref<200xf32, #tpu.memory_space<vmem>>[vector<16xi32>], vector<16xf32>,
        %parallel_loop3A_380 = arith.subf %parallel_loop3A_371, %parallel_loop3A_367 : vector<16xf32>
        %parallel_loop3A_381 = arith.mulf %parallel_loop3A_255, %parallel_loop3A_380 : vector<16xf32>
        %parallel_loop3A_382 = arith.addf %parallel_loop3A_367, %parallel_loop3A_381 : vector<16xf32>
        %parallel_loop3A_383 = arith.subf %parallel_loop3A_379, %parallel_loop3A_375 : vector<16xf32>
        %parallel_loop3A_384 = arith.mulf %parallel_loop3A_255, %parallel_loop3A_383 : vector<16xf32>
        %parallel_loop3A_385 = arith.addf %parallel_loop3A_375, %parallel_loop3A_384 : vector<16xf32>
        %parallel_loop3A_386 = arith.subf %parallel_loop3A_385, %parallel_loop3A_382 : vector<16xf32>
        %parallel_loop3A_387 = arith.mulf %parallel_loop3A_362, %parallel_loop3A_386 : vector<16xf32>
        %parallel_loop3A_388 = arith.addf %parallel_loop3A_382, %parallel_loop3A_387 : vector<16xf32>
        %parallel_loop3A_389 = arith.minimumf %parallel_loop3A_335, %parallel_loop3A_388 : vector<16xf32>
        %parallel_loop3A_390 = arith.subf %parallel_loop3A_389, %parallel_loop3A_231 : vector<16xf32>
        %parallel_loop3A_391 = arith.constant -2.000000e+01 : f32
        %parallel_loop3A_392 = arith.constant 2.000000e+01 : f32
        %parallel_loop3A_393 = vector.broadcast %parallel_loop3A_391 : f32 to vector<16xf32>
        %parallel_loop3A_394 = arith.maximumf %parallel_loop3A_393, %parallel_loop3A_390 : vector<16xf32>
        %parallel_loop3A_395 = vector.broadcast %parallel_loop3A_392 : f32 to vector<16xf32>
        %parallel_loop3A_396 = arith.minimumf %parallel_loop3A_395, %parallel_loop3A_394 : vector<16xf32>
        %parallel_loop3A_397 = arith.constant 2.000000e+01 : f32
        %parallel_loop3A_398 = vector.broadcast %parallel_loop3A_397 : f32 to vector<16xf32>
        %parallel_loop3A_399 = arith.addf %parallel_loop3A_396, %parallel_loop3A_398 : vector<16xf32>
        %parallel_loop3A_400 = arith.constant 2.000000e-01 : f32
        %parallel_loop3A_401 = vector.broadcast %parallel_loop3A_400 : f32 to vector<16xf32>
        %parallel_loop3A_402 = arith.mulf %parallel_loop3A_399, %parallel_loop3A_401 : vector<16xf32>
        %parallel_loop3A_403 = arith.fptosi %parallel_loop3A_402 : vector<16xf32> to vector<16xi32>
        %parallel_loop3A_404 = arith.constant 7 : i32
        %parallel_loop3A_405 = vector.broadcast %parallel_loop3A_404 : i32 to vector<16xi32>
        %parallel_loop3A_406 = arith.minsi %parallel_loop3A_403, %parallel_loop3A_405 : vector<16xi32>
        %parallel_loop3A_407 = arith.constant 184 : i32
        %parallel_loop3A_408 = vector.broadcast %parallel_loop3A_407 : i32 to vector<16xi32>
        %parallel_loop3A_409 = arith.addi %parallel_loop3A_406, %parallel_loop3A_408 : vector<16xi32>
        %parallel_loop3A_410 = tpu.vector_load_idx %arg16[%parallel_loop3A_409] : memref<200xf32, #tpu.memory_space<vmem>>[vector<16xi32>], vector<16xf32>,
        %parallel_loop3A_411 = arith.constant 192 : i32
        %parallel_loop3A_412 = vector.broadcast %parallel_loop3A_411 : i32 to vector<16xi32>
        %parallel_loop3A_413 = arith.addi %parallel_loop3A_406, %parallel_loop3A_412 : vector<16xi32>
        %parallel_loop3A_414 = tpu.vector_load_idx %arg16[%parallel_loop3A_413] : memref<200xf32, #tpu.memory_space<vmem>>[vector<16xi32>], vector<16xf32>,
        %parallel_loop3A_415 = arith.mulf %parallel_loop3A_414, %parallel_loop3A_396 : vector<16xf32>
        %parallel_loop3A_416 = arith.addf %parallel_loop3A_410, %parallel_loop3A_415 : vector<16xf32>
        %parallel_loop3A_417 = arith.minimumf %parallel_loop3A_282, %parallel_loop3A_416 : vector<16xf32>
        %parallel_loop3A_418 = arith.index_cast %parallel_loop3A_201 : i32 to index
        %parallel_loop3A_419 = arith.index_cast %parallel_loop3A_219 : i32 to index
        %parallel_loop3A_420 = tpu.vector_load %arg15[%parallel_loop3A_418, %parallel_loop3A_419] {strides = array<i32>} : memref<32x128xf32, #tpu.memory_space<vmem>>, vector<16xf32>,
        tpu.vector_store %arg15[%parallel_loop3A_418, %parallel_loop3A_419], %parallel_loop3A_417 {strides = array<i32>} : memref<32x128xf32, #tpu.memory_space<vmem>>, vector<16xf32>,
      } {sc.loop_unroll_factor = 1 : i64, sc.parallel_access}
      %lt3A_167 = arith.constant 3 : i32
      %lt3A_168 = arith.cmpi slt, %scan3A_75, %lt3A_167 : i32
      %convert_element_type3A_169 = arith.extui %lt3A_168 : i1 to i32
      %cond3A_170 = arith.constant 0 : i32
      %cond3A_171 = arith.cmpi ne, %convert_element_type3A_169, %cond3A_170 : i32
      scf.if %cond3A_171 {
        %add3A_177 = arith.constant 3 : i32
        %add3A_178 = arith.addi %mul3A_77, %add3A_177 : i32
        %mul3A_179 = arith.constant 32 : i32
        %mul3A_180 = arith.muli %add3A_178, %mul3A_179 : i32
        %add3A_181 = arith.addi %mul3A_2, %mul3A_180 : i32
        %dma_start3A_182 = arith.constant 0 : i32
        %dma_start3A_183 = arith.constant 1 : i32
        %dma_start3A_184 = arith.constant 0 : i32
        %dma_start3A_185 = tpu.memref_slice %arg2[%dma_start3A_182, %add3A_181, %dma_start3A_183, %dma_start3A_184] : memref<2x8192x8x128xf32, #tpu.memory_space<hbm>> -> memref<1x32x1x128xf32, #tpu.memory_space<hbm>>
        %dma_start3A_186 = tpu.memref_squeeze %dma_start3A_185 : memref<1x32x1x128xf32, #tpu.memory_space<hbm>> -> memref<32x128xf32, #tpu.memory_space<hbm>>
        %dma_start3A_187 = arith.constant 0 : i32
        %dma_start3A_188 = tpu.memref_slice %arg2[%dma_start3A_182, %add3A_181, %dma_start3A_183, %dma_start3A_187] : memref<2x8192x8x128xf32, #tpu.memory_space<hbm>> -> memref<1x32x1x128xf32, #tpu.memory_space<hbm>>
        %dma_start3A_189 = tpu.memref_squeeze %dma_start3A_188 : memref<1x32x1x128xf32, #tpu.memory_space<hbm>> -> memref<32x128xf32, #tpu.memory_space<hbm>>
        tpu.enqueue_dma source(%dma_start3A_189 : memref<32x128xf32, #tpu.memory_space<hbm>>) target(%arg10 : memref<32x128xf32, #tpu.memory_space<vmem>>) target_semaphore(%arg19 : memref<!tpu.dma_semaphore, #tpu.memory_space<semaphore_mem>>)
        %dma_start3A_190 = arith.constant 0 : i32
        %dma_start3A_191 = arith.constant 2 : i32
        %dma_start3A_192 = arith.constant 0 : i32
        %dma_start3A_193 = tpu.memref_slice %arg2[%dma_start3A_190, %add3A_181, %dma_start3A_191, %dma_start3A_192] : memref<2x8192x8x128xf32, #tpu.memory_space<hbm>> -> memref<1x32x1x128xf32, #tpu.memory_space<hbm>>
        %dma_start3A_194 = tpu.memref_squeeze %dma_start3A_193 : memref<1x32x1x128xf32, #tpu.memory_space<hbm>> -> memref<32x128xf32, #tpu.memory_space<hbm>>
        %dma_start3A_195 = arith.constant 0 : i32
        %dma_start3A_196 = tpu.memref_slice %arg2[%dma_start3A_190, %add3A_181, %dma_start3A_191, %dma_start3A_195] : memref<2x8192x8x128xf32, #tpu.memory_space<hbm>> -> memref<1x32x1x128xf32, #tpu.memory_space<hbm>>
        %dma_start3A_197 = tpu.memref_squeeze %dma_start3A_196 : memref<1x32x1x128xf32, #tpu.memory_space<hbm>> -> memref<32x128xf32, #tpu.memory_space<hbm>>
        tpu.enqueue_dma source(%dma_start3A_197 : memref<32x128xf32, #tpu.memory_space<hbm>>) target(%arg11 : memref<32x128xf32, #tpu.memory_space<vmem>>) target_semaphore(%arg19 : memref<!tpu.dma_semaphore, #tpu.memory_space<semaphore_mem>>)
        %dma_start3A_198 = arith.constant 0 : i32
        %dma_start3A_199 = arith.constant 3 : i32
        %dma_start3A_200 = arith.constant 0 : i32
        %dma_start3A_201 = tpu.memref_slice %arg2[%dma_start3A_198, %add3A_181, %dma_start3A_199, %dma_start3A_200] : memref<2x8192x8x128xf32, #tpu.memory_space<hbm>> -> memref<1x32x1x128xf32, #tpu.memory_space<hbm>>
        %dma_start3A_202 = tpu.memref_squeeze %dma_start3A_201 : memref<1x32x1x128xf32, #tpu.memory_space<hbm>> -> memref<32x128xf32, #tpu.memory_space<hbm>>
        %dma_start3A_203 = arith.constant 0 : i32
        %dma_start3A_204 = tpu.memref_slice %arg2[%dma_start3A_198, %add3A_181, %dma_start3A_199, %dma_start3A_203] : memref<2x8192x8x128xf32, #tpu.memory_space<hbm>> -> memref<1x32x1x128xf32, #tpu.memory_space<hbm>>
        %dma_start3A_205 = tpu.memref_squeeze %dma_start3A_204 : memref<1x32x1x128xf32, #tpu.memory_space<hbm>> -> memref<32x128xf32, #tpu.memory_space<hbm>>
        tpu.enqueue_dma source(%dma_start3A_205 : memref<32x128xf32, #tpu.memory_space<hbm>>) target(%arg12 : memref<32x128xf32, #tpu.memory_space<vmem>>) target_semaphore(%arg19 : memref<!tpu.dma_semaphore, #tpu.memory_space<semaphore_mem>>)
        %dma_start3A_206 = arith.constant 1 : i32
        %dma_start3A_207 = arith.constant 0 : i32
        %dma_start3A_208 = arith.constant 0 : i32
        %dma_start3A_209 = tpu.memref_slice %arg2[%dma_start3A_206, %add3A_181, %dma_start3A_207, %dma_start3A_208] : memref<2x8192x8x128xf32, #tpu.memory_space<hbm>> -> memref<1x32x1x128xf32, #tpu.memory_space<hbm>>
        %dma_start3A_210 = tpu.memref_squeeze %dma_start3A_209 : memref<1x32x1x128xf32, #tpu.memory_space<hbm>> -> memref<32x128xf32, #tpu.memory_space<hbm>>
        %dma_start3A_211 = arith.constant 0 : i32
        %dma_start3A_212 = tpu.memref_slice %arg2[%dma_start3A_206, %add3A_181, %dma_start3A_207, %dma_start3A_211] : memref<2x8192x8x128xf32, #tpu.memory_space<hbm>> -> memref<1x32x1x128xf32, #tpu.memory_space<hbm>>
        %dma_start3A_213 = tpu.memref_squeeze %dma_start3A_212 : memref<1x32x1x128xf32, #tpu.memory_space<hbm>> -> memref<32x128xf32, #tpu.memory_space<hbm>>
        tpu.enqueue_dma source(%dma_start3A_213 : memref<32x128xf32, #tpu.memory_space<hbm>>) target(%arg13 : memref<32x128xf32, #tpu.memory_space<vmem>>) target_semaphore(%arg19 : memref<!tpu.dma_semaphore, #tpu.memory_space<semaphore_mem>>)
      } else {
      }
      %add3A_172 = arith.constant 1 : i32
      %add3A_173 = arith.addi %mul3A_77, %add3A_172 : i32
      %mul3A_174 = arith.constant 32 : i32
      %mul3A_175 = arith.muli %add3A_173, %mul3A_174 : i32
      %add3A_176 = arith.addi %mul3A_2, %mul3A_175 : i32
      "tpu.region"() ({
        %run_scoped3A = tpu.sem_alloc : memref<!tpu.dma_semaphore, #tpu.memory_space<semaphore_mem>>
        %dma_start3A_177 = arith.constant 0 : i32
        %dma_start3A_178 = tpu.memref_slice %arg5[%add3A_176, %dma_start3A_177] : memref<8192x128xf32, #tpu.memory_space<hbm>> -> memref<32x128xf32, #tpu.memory_space<hbm>>
        %dma_start3A_179 = arith.constant 0 : i32
        %dma_start3A_180 = tpu.memref_slice %arg5[%add3A_176, %dma_start3A_179] : memref<8192x128xf32, #tpu.memory_space<hbm>> -> memref<32x128xf32, #tpu.memory_space<hbm>>
        tpu.enqueue_dma source(%arg15 : memref<32x128xf32, #tpu.memory_space<vmem>>) target(%dma_start3A_180 : memref<32x128xf32, #tpu.memory_space<hbm>>) target_semaphore(%run_scoped3A : memref<!tpu.dma_semaphore, #tpu.memory_space<semaphore_mem>>)
        %dma_wait3A_181 = arith.constant 0 : i32
        %dma_wait3A_182 = tpu.memref_slice %arg5[%add3A_176, %dma_wait3A_181] : memref<8192x128xf32, #tpu.memory_space<hbm>> -> memref<32x128xf32, #tpu.memory_space<hbm>>
        %dma_wait3A_183 = arith.constant 0 : i32
        %dma_wait3A_184 = tpu.memref_slice %arg5[%add3A_176, %dma_wait3A_183] : memref<8192x128xf32, #tpu.memory_space<hbm>> -> memref<32x128xf32, #tpu.memory_space<hbm>>
        tpu.wait_dma2 semaphore(%run_scoped3A : memref<!tpu.dma_semaphore, #tpu.memory_space<semaphore_mem>>) src(%arg15 : memref<32x128xf32, #tpu.memory_space<vmem>>) dst(%dma_wait3A_184 : memref<32x128xf32, #tpu.memory_space<hbm>>)
        tpu.yield
      }) : () -> ()
    }
    %scan3A_74 = arith.constant 4 : i32
    return
  }
}

</mosaic_0001>

<sc_bundles>
// kernel: kernel.3.cloned.1.call-start
scs
__scs_entry_jumppad:
0x0: {  	(pc) =	sbr.rel $0x88, $3  }
0x1: {  	(tag) =	ssettag $0x0;
	lr =	simm.s32 $0x1  }
0x2: {  	[smem:$0x3FA0] =	sst lr;
	_ =	strace $0xD0000000  }
0x3: {  	_ = 	snop  }
0x4: {  	_ = 	snop  }
0x5: {  	_ = 	snop  }
0x6: {  	_ = 	snop  }
0x7: {  	_ = 	snop  }
__scs_overlays_trampoline_lowered:
0x8: {  	[smem:$0x3FAF] =	sst s0  }
0x9: {  	[smem:$0x3FB0] =	sst s1  }
0xa: {  	[smem:$0x3FB1] =	sst s2  }
0xb: {  	[smem:$0x3FB2] =	sst s3  }
0xc: {  	[smem:$0x3FB3] =	sst s4  }
0xd: {  	[smem:$0x3FB4] =	sst s5  }
0xe: {  	[smem:$0x3FB5] =	sst s6  }
0xf: {  	[smem:$0x3FB6] =	sst s7  }
0x10: {  	[smem:$0x3FB7] =	sst s8  }
0x11: {  	[smem:$0x3FB8] =	sst s9;
	s0 =	simm.s32 @!p0 $0x0  }
0x12: {  	s1 =	sld [smem:$0x3F9E];
	s0 =	simm.s32 @p0 $0x1  }
0x13: {  	[smem:$0x3FB9] =	sst s0;
	s0 =	simm.s32 @!p1 $0x0  }
0x14: {  	s2 =	sld [smem:$0x3F9D];
	s0 =	simm.s32 @p1 $0x1  }
0x15: {  	[smem:$0x3FBA] =	sst s0;
	s0 =	simm.s32 @!p2 $0x0  }
0x16: {  	s3 =	sld [smem:$0x3FDB];
	s0 =	simm.s32 @p2 $0x1  }
0x17: {  	s4 =	simm.s32 $0x1BF5;
	[smem:$0x3FBC] =	sst s0  }
0x18: {  	s0 =	sld [smem:$0x3F9F];
	_ =	swait.ge [sflag:s4], $0x0  }
0x19: {  	s7 =	sld [smem:$0x3FA0]  }
0x1a: {  	s8 =	sadd.s32 $0xFFFFE003, lr  }
0x1b: {  	s9 =	sadd.s32 $0xFFFFFEF7, lr;
	s5 =	simm.s32 $0xFFFFFFFF;
	p2 =	slt.u32 s8, $0xFFFFF086  }
0x1c: {  	p1 =	slt.u32 s9, $0xF7A;
	s5 =	simm.s32 @!p2 $0x0  }
0x1d: {  	s5 =	simm.s32 @p1 $0x1;
	p0 =	seq.s32 s7, s2  }
0x1e: {  	s7 =	smul.u32 @!p0 $0xF7A, s2;
	p2 =	seq.s32 @!p0 s5, $0x0  }
0x1f: {  	s9 =	smul.u32 $0xF7A, s1;
	s8 =	simm.s32 @!p0 $0x1BF5;
	p2 =	por !p2, p0  }
0x20: {  	[sflag:s8] =	ssyncset.s32 @!p0 $0xFFFFF086;
	s6 =	sadd.s32 @!p0 s3, s7;
	s7 =	simm.s32 @!p0 $0x108  }
0x21: {  	s3 =	sadd.s32 s3, s9;
	s6 =	sadd.s32 @!p0 $0x88, s6;
	s7 =	simm.s32 @p2 $0x1082  }
0x22: {  	[simem:s7], [sflag:s8] =	dma.local @!p0 [hbm:s6], $0xF7A  }
0x23: {  	s9 =	sor.u32 $0xD0000000, s2;
	s6 =	simm.s32 $0x108;
	_ =	swait.ge @!p0 [sflag:s8], $0x0  }
0x24: {  	s3 =	sadd.s32 $0x88, s3;
	s6 =	simm.s32 @!p1 $0x1082;
	[sflag:s4] =	ssyncset.s32 $0xFFFFF086  }
0x25: {  	[simem:s6], [sflag:s4] =	dma.local [hbm:s3], $0xF7A  }
0x26: {  	[smem:$0x3FA0] =	sst s1;
	(tag) =	ssettag s2;
	_ =	strace s9  }
0x27: {  	s1 =	sld [smem:$0x3FB0]  }
0x28: {  	s2 =	sld [smem:$0x3FB1]  }
0x29: {  	s4 =	sld [smem:$0x3FB3]  }
0x2a: {  	p0 =	seq.s32 s5, $0x0;
	s5 =	sld [smem:$0x3FB4]  }
0x2b: {  	s6 =	sld [smem:$0x3FB5]  }
0x2c: {  	s7 =	sld [smem:$0x3FB6]  }
0x2d: {  	s3 =	simm.s32 $0x108;
	s8 =	sld [smem:$0x3FB7]  }
0x2e: {  	s3 =	simm.s32 @!p0 $0x1082;
	s9 =	sld [smem:$0x3FB8]  }
0x2f: {  	lr =	sadd.s32 s0, s3;
	s0 =	sld [smem:$0x3FAF]  }
0x30: {  	s3 =	sld [smem:$0x3FB2]  }
0x31: {  	[smem:$0x3FBB] =	sst s10  }
0x32: {  	s10 =	sld [smem:$0x3FB9];
	_ =	sdelay $0x3  }
0x33: {  	p0 =	seq.s32 s10, $0x1;
	s10 =	sld [smem:$0x3FBB];
	_ =	sdelay $0x3  }
0x34: {  	[smem:$0x3FBB] =	sst s10  }
0x35: {  	s10 =	sld [smem:$0x3FBA];
	_ =	sdelay $0x3  }
0x36: {  	p1 =	seq.s32 s10, $0x1;
	s10 =	sld [smem:$0x3FBB];
	_ =	sdelay $0x3  }
0x37: {  	[smem:$0x3FBB] =	sst s10  }
0x38: {  	s10 =	sld [smem:$0x3FBC]  }
0x39: {  	_ = 	snop;
	(pc) =	sbr.ind lr, $3  }
0x3a: {  	_ = 	snop  }
0x3b: {  	_ = 	snop  }
0x3c: {  	p2 =	seq.s32 s10, $0x1;
	s10 =	sld [smem:$0x3FBB]  }
0x3d: {  	_ =	shalt  }
0x3e: {  	_ =	shalt  }
0x3f: {  	_ =	shalt  }
0x40: {  	_ =	shalt  }
0x41: {  	_ =	shalt  }
0x42: {  	_ =	shalt  }
0x43: {  	_ =	shalt  }
0x44: {  	_ =	shalt  }
0x45: {  	_ =	shalt  }
0x46: {  	_ =	shalt  }
0x47: {  	_ =	shalt  }
0x48: {  	_ =	shalt  }
0x49: {  	_ =	shalt  }
0x4a: {  	_ =	shalt  }
0x4b: {  	_ =	shalt  }
0x4c: {  	_ =	shalt  }
0x4d: {  	_ =	shalt  }
0x4e: {  	_ =	shalt  }
0x4f: {  	_ =	shalt  }
0x50: {  	_ =	shalt  }
0x51: {  	_ =	shalt  }
0x52: {  	_ =	shalt  }
0x53: {  	_ =	shalt  }
0x54: {  	_ =	shalt  }
0x55: {  	_ =	shalt  }
0x56: {  	_ =	shalt  }
0x57: {  	_ =	shalt  }
0x58: {  	_ =	shalt  }
0x59: {  	_ =	shalt  }
0x5a: {  	_ =	shalt  }
0x5b: {  	_ =	shalt  }
0x5c: {  	_ =	shalt  }
0x5d: {  	_ =	shalt  }
0x5e: {  	_ =	shalt  }
0x5f: {  	_ =	shalt  }
0x60: {  	_ =	shalt  }
0x61: {  	_ =	shalt  }
0x62: {  	_ =	shalt  }
0x63: {  	_ =	shalt  }
0x64: {  	_ =	shalt  }
0x65: {  	_ =	shalt  }
0x66: {  	_ =	shalt  }
0x67: {  	_ =	shalt  }
0x68: {  	_ =	shalt  }
0x69: {  	_ =	shalt  }
0x6a: {  	_ =	shalt  }
0x6b: {  	_ =	shalt  }
0x6c: {  	_ =	shalt  }
0x6d: {  	_ =	shalt  }
0x6e: {  	_ =	shalt  }
0x6f: {  	_ =	shalt  }
0x70: {  	_ =	shalt  }
0x71: {  	_ =	shalt  }
0x72: {  	_ =	shalt  }
0x73: {  	_ =	shalt  }
0x74: {  	_ =	shalt  }
0x75: {  	_ =	shalt  }
0x76: {  	_ =	shalt  }
0x77: {  	_ =	shalt  }
0x78: {  	_ =	shalt  }
0x79: {  	_ =	shalt  }
0x7a: {  	_ =	shalt  }
0x7b: {  	_ =	shalt  }
0x7c: {  	_ =	shalt  }
0x7d: {  	_ =	shalt  }
0x7e: {  	_ =	shalt  }
0x7f: {  	_ =	shalt  }
0x80: {  	_ =	shalt  }
0x81: {  	_ =	shalt  }
0x82: {  	_ =	shalt  }
0x83: {  	_ =	shalt  }
0x84: {  	_ =	shalt  }
0x85: {  	_ =	shalt  }
0x86: {  	_ =	shalt  }
0x87: {  	_ =	shalt  }
.Lfunc_end0:
.L_simem_size_0:
called_computation_lowered:
.L_overlay_start_0:
0x88: {  	s2 =	sld [smem:$0x3FD9]  }
0x89: {  	s3 =	sld [smem:$0x3FFE];
	_ =	sdelay $0x1  }
0x8a: {  	s1 =	srdreg.scid  }
0x8b: {  	s0 =	sand.u32 $0x1, s1  }
0x8c: {  	s17 =	sshll.u32 s0, $0xA;
	s2 =	sadd.s32 s3, s2  }
0x8d: {  	s2 =	sadd.s32 s2, s17  }
0x8e: {  	[smem:$0x3FC7] =	sst s2  }
0x8f: {  	_ = 	snop  }
0x90: {  	s2 =	sld [smem:$0x3FC9]  }
0x91: {  	s18 =	sld [smem:$0x3FD0];
	(tm) =	ssettm $0x1  }
0x92: {  	s4 =	sld [smem:$0x3FFB];
	_ =	sdelay $0x3  }
0x93: {  	_ =	strace s4  }
0x94: {  	s4 =	sld [smem:$0x3FFC];
	_ =	sdelay $0x3  }
0x95: {  	_ =	strace s4  }
0x96: {  	s4 =	sld [smem:$0x3FFD];
	_ =	sdelay $0x3  }
0x97: {  	_ =	strace s4  }
0x98: {  	_ =	strace $0x8FFFFFFF  }
0x99: {  	s19 =	sld [smem:$0x3FDB];
	_ =	sdelay $0x1  }
0x9a: {  	s5 =	simm.s32 $_scs_section_size  }
0x9b: {  	s6 =	simm.s32 $_size__tile_overlayer_lowered;
	s7 =	simm.s32 $_tile_overlayer_lowered  }
0x9c: {  	s22 =	simm.s32 $0x1BFF;
	s21 =	sshll.u32 s7, $0x1;
	s4 =	sadd.s32 s5, s19  }
0x9d: {  	s8 =	simm.s32 $0x0;
	s20 =	sshll.u32 s6, $0x1;
	s6 =	sadd.s32 s21, s4  }
0x9e: {  	[timem:s8], [sflag:s22] =	dma.local [hbm:s6], s20  }
0x9f: {  	_ =	swait.ge [sflag:s22], s20  }
0xa0: {  	s5 =	ssub.s32 $0x0, s20;
	[sflag:s22] =	ssyncset.done $0x0  }
0xa1: {  	[sflag:s22] =	ssyncadd.s32 s5;
	_ =	sdelay $0x1  }
0xa2: {  	s23 =	simm.s32 $0x1B8B  }
0xa3: {  	_ =	swait.ge [sflag:s23], $0x1  }
0xa4: {  	[sflag:s23] =	ssyncset.done $0x0  }
0xa5: {  	s25 =	simm.s32 $0x1B8E;
	s24 =	sld [smem:$0x3FFE];
	[sflag:s23] =	ssyncadd.s32 $0xFFFFFFFF  }
0xa6: {  	s26 =	simm.s32 $execute0_lowered;
	[smem:$0x3FD2] =	sst s25  }
0xa7: {  	s6 =	sshll.u32 s26, $0x1;
	_ =	strace $0x80000046;
	[dreg:$0x1] =	wrdreg $0xFFFFFFFF  }
0xa8: {  	s28 =	simm.s32 $_size_execute0_lowered;
	s4 =	sadd.s32 s4, s6;
	[dreg:$0x0] =	wrdreg $0x0  }
0xa9: {  	s6 =	sshll.u32 s28, $0x1;
	[dreg:$0x2] =	wrdreg s4  }
0xaa: {  	[dreg:$0x3] =	wrdreg s6  }
0xab: {  	[dreg:$0x4] =	wrdreg $0xC0  }
0xac: {  	_ =	task [dreg:s8], $0x5FFFF  }
0xad: {  	[dreg:$0x1] =	wrdreg $0xFFFFFFFF  }
0xae: {  	[dreg:$0x0] =	wrdreg $0x60  }
0xaf: {  	[dreg:$0x2] =	wrdreg s2  }
0xb0: {  	[dreg:$0x3] =	wrdreg s24  }
0xb1: {  	[dreg:$0x4] =	wrdreg s18  }
0xb2: {  	[dreg:$0x5] =	wrdreg $0x9  }
0xb3: {  	_ =	task.clear_ibuf [dreg:s8], $0x6FFFF;
	_ =	strace $0x90000046  }
0xb4: {  	s29 =	simm.s32 $0x9;
	_ =	strace $0x80000048  }
0xb5: {  	_ =	swait.ge [sflag:s29], $0x1  }
0xb6: {  	[sflag:s29] =	ssyncadd.s32 $0xFFFFFFFF  }
0xb7: {  	_ =	strace $0x90000048  }
0xb8: {  	_ =	sfence  }
0xb9: {  	s30 =	sld [smem:$0x0];
	_ =	sdelay $0x2  }
0xba: {  	s31 =	sshll.u32 s1, $0xD;
	s1 =	sshrl.u32 s1, $0x2  }
0xbb: {  	s3 =	sand.u32 $0x4000, s31;
	s1 =	sadd.s32 s1, s30  }
0xbc: {  	s0 =	sor.u32 s3, s0;
	s1 =	sshll.u32 s1, $0x11  }
0xbd: {  	s0 =	sor.u32 s1, s0  }
0xbe: {  	s0 =	sadd.s32 $0x8F2B, s0  }
0xbf: {  	[sflag:s0] =	ssyncadd.remote.s32 $0x1  }
0xc0: {  	_ =	sfence.sel $0xFFFF  }
0xc1: {  	[dreg:$0x0] =	wrdreg $0xFFFFFFFF;
	(pc) =	sbr.abs _section_cstart, $3  }
0xc2: {  	[dreg:$0x1] =	wrdreg $0xFFFFFFFF  }
0xc3: {  	_ =	task.clear_ibuf [dreg:s8], $0x2FFFF;
	_ =	strace $0x9FFFFFFF  }
0xc4: {  	(tm) =	ssettm $0x7FFFFFFF  }
0xc5: {  	_ =	shalt  }
tec
execute0_lowered:
.L_overlay_start_1:
0x0: {  	(tag) =	ssettag $0x1  }
0x1: {  	s0 =	rddreg [dreg:$0x0]  }
0x2: {  	s3 =	rddreg [dreg:$0x1]  }
0x3: {  	s1 =	rddreg [dreg:$0x2]  }
0x4: {  	s2 =	simm.s32 $0x0;
	s4 =	srdreg.scid;
	s7 =	stileid.u32  }
0x5: {  	s28 =	simm.s32 $0x400;
	s31 =	simm.s32 $0x1;
	s29 =	simm.s32 $0x9000  }
0x6: {  	s30 =	simm.s32 $0x0;
	[smem:$0x7FF] =	sst s2;
	s4 =	sand.u32 $0x1, s4  }
0x7: {  	s5 =	sadd.s32 $0x600, s3;
	s7 =	sshll.u32 s7, $0x9;
	s3 =	sadd.s32 $0x400, s3  }
0x8: {  	s8 =	sadd.s32 $0x20, s0;
	s11 =	sadd.s32 $0x30, s0;
	s15 =	ssub.s32 $0x2, s4  }
0x9: {  	s13 =	sadd.s32 $0x100000, s0;
	s4 =	sshll.u32 s4, $0x8;
	s6 =	sshrl.u32 s15, $0x1  }
0xa: {  	_ =	strace $0x80000047;
	s16 =	ssub.s32 s15, s6;
	s6 =	sor.u32 s4, s7  }
0xb: {  	[dreg:$0x4] =	wrdreg s5;
	s7 =	sadd.s32 $0x10, s0;
	s4 =	sshll.u32 s6, $0x7  }
0xc: {  	[dreg:$0x5] =	wrdreg s3;
	s3 =	simm.s32 $0x2;
	s21 =	sadd.s32 s4, s7  }
0xd: {  	s26 =	sshll.u32 s6, $0x4;
	s22 =	sadd.s32 s4, s8;
	[dreg:$0x6] =	wrdreg s21  }
0xe: {  	s19 =	sor.u32 $0x40, s6;
	s23 =	sadd.s32 s4, s11;
	[dreg:$0x7] =	wrdreg s22  }
0xf: {  	s0 =	sadd.s32 s4, s0;
	s4 =	sadd.s32 s4, s13;
	[dreg:$0x8] =	wrdreg s23  }
0x10: {  	s20 =	sadd.s32 s1, s26;
	s26 =	simm.s32 $0x80;
	[dreg:$0x9] =	wrdreg s4  }
0x11: {  	s24 =	sadd.s32 $0x1010, s0;
	s25 =	sadd.s32 $0x1020, s0;
	s17 =	sadd.s32 $0x1030, s0  }
0x12: {  	s18 =	sadd.s32 $0x101000, s0;
	s21 =	sor.u32 $0x60, s6;
	s22 =	smax.u32 s16, $0x1  }
0x13: {  	s23 =	simm.s32 $0xA000;
	s0 =	simm.s32 $0x8000;
	[dreg:$0xa] =	wrdreg s24  }
0x14: {  	[dreg:$0xb] =	wrdreg s25;
	s24 =	simm.s32 $0x3;
	s25 =	simm.s32 $0xA0C8  }
.LBB2_1:
0x15: {  	s4 =	rddreg [dreg:$0x4]  }
0x16: {  	[tilespmem:s23], [sflag:$0x3] =	stream.linear.gather [hbm4b:s4+s2], $0xC8, $0x38;
	[tilespmem:$0xA108] =	vst v63  }
0x17: {  	_ =	swait.ge [sflag:s24], $0xC8  }
0x18: {  	[sflag:s24] =	ssyncset.done $0x0  }
0x19: {  	s5 =	rddreg [dreg:$0x5];
	[sflag:s24] =	ssyncadd.s32 $0xFFFFFF38  }
0x1a: {  	[tilespmem:s25], [sflag:$0x3] =	stream.linear.gather [hbm4b:s5+s2], $0x40, $0x38;
	[tilespmem:$0xA108] =	vst v63  }
0x1b: {  	_ =	swait.ge [sflag:s24], $0x40  }
0x1c: {  	[sflag:s24] =	ssyncset.done $0x0  }
0x1d: {  	s9 =	rddreg [dreg:$0x6];
	[sflag:s24] =	ssyncadd.s32 $0xFFFFFFC0  }
0x1e: {  	[tilespmem:s2], [sflag:$0x1] =	stream.strided.gather [hbm4b:s9+s26], $0x1000, s28, s26, $0x38;
	[tilespmem:$0xA108] =	vst v63  }
0x1f: {  	s5 =	simm.s32 $0x1000;
	s10 =	rddreg [dreg:$0x7]  }
0x20: {  	[tilespmem:s5], [sflag:$0x1] =	stream.strided.gather [hbm4b:s10+s26], $0x1000, s28, s26, $0x38;
	[tilespmem:$0xA108] =	vst v63  }
0x21: {  	s14 =	simm.s32 $0x2000;
	s12 =	rddreg [dreg:$0x8]  }
0x22: {  	[tilespmem:s14], [sflag:$0x1] =	stream.strided.gather [hbm4b:s12+s26], $0x1000, s28, s26, $0x38;
	[tilespmem:$0xA108] =	vst v63  }
0x23: {  	s16 =	simm.s32 $0x3000;
	s15 =	rddreg [dreg:$0x9]  }
0x24: {  	[tilespmem:s16], [sflag:$0x1] =	stream.strided.gather [hbm4b:s15+s26], $0x1000, s28, s26, $0x38;
	[tilespmem:$0xA108] =	vst v63  }
0x25: {  	s9 =	rddreg [dreg:$0xa];
	s10 =	simm.s32 $0x4000  }
0x26: {  	[tilespmem:s10], [sflag:$0x2] =	stream.strided.gather [hbm4b:s9+s26], $0x1000, s28, s26, $0x38;
	[tilespmem:$0xA108] =	vst v63  }
0x27: {  	s12 =	rddreg [dreg:$0xb];
	s14 =	simm.s32 $0x5000  }
0x28: {  	[tilespmem:s14], [sflag:$0x2] =	stream.strided.gather [hbm4b:s12+s26], $0x1000, s28, s26, $0x38;
	[tilespmem:$0xA108] =	vst v63  }
0x29: {  	s15 =	simm.s32 $0x6000  }
0x2a: {  	[tilespmem:s15], [sflag:$0x2] =	stream.strided.gather [hbm4b:s17+s26], $0x1000, s28, s26, $0x38;
	[tilespmem:$0xA108] =	vst v63  }
0x2b: {  	s4 =	simm.s32 $0x0;
	s16 =	simm.s32 $0x7000  }
0x2c: {  	[tilespmem:s16], [sflag:$0x2] =	stream.strided.gather [hbm4b:s18+s26], $0x1000, s28, s26, $0x38;
	[tilespmem:$0xA108] =	vst v63  }
.LBB2_2:
0x2d: {  	_ =	swait.ge [sflag:s31], $0x1000  }
0x2e: {  	[sflag:s31] =	ssyncset.done $0x0  }
0x2f: {  	[sflag:s31] =	ssyncadd.s32 $0xFFFFF000  }
0x30: {  	_ =	swait.ge [sflag:s31], $0x1000  }
0x31: {  	[sflag:s31] =	ssyncset.done $0x0  }
0x32: {  	[sflag:s31] =	ssyncadd.s32 $0xFFFFF000  }
0x33: {  	_ =	swait.ge [sflag:s31], $0x1000  }
0x34: {  	[sflag:s31] =	ssyncset.done $0x0  }
0x35: {  	[sflag:s31] =	ssyncadd.s32 $0xFFFFF000  }
0x36: {  	_ =	swait.ge [sflag:s31], $0x1000  }
0x37: {  	[sflag:s31] =	ssyncset.done $0x0  }
0x38: {  	s9 =	simm.s32 $0x0;
	[sflag:s31] =	ssyncadd.s32 $0xFFFFF000  }
0x39: {  	v0 =	vld [tilespmem:s9+$0x1000];
	_ =	sdelay $0x1  }
0x3a: {  	v1 =	vld [tilespmem:s9+$0x0]  }
0x3b: {  	v2 =	vld [tilespmem:s9+$0x2000];
	_ =	sdelay $0x1  }
0x3c: {  	v0 =	vmax.f32 v0, $1.800000000e+01  }
0x3d: {  	v3 =	vmin.f32 v0, $3.200000000e+01  }
0x3e: {  	v0 =	vmax.f32 v1, $-3.000000000e+01;
	v4 =	vadd.f32 $-1.800000000e+01, v3  }
0x3f: {  	v2 =	vmax.f32 v2, $1.800000000e+01;
	v0 =	vmin.f32 v0, $5.000000000e+01  }
0x40: {  	v6 =	vmin.f32 v2, $3.200000000e+01;
	v5 =	vadd.f32 $3.000000000e+01, v0;
	v2 =	vadd.f32 v4, v4;
	_ =	sdelay $0x1  }
0x41: {  	v5 =	vmul.f32 $2.000000030e-01, v5;
	v2 =	vtrunc.f32 v2  }
0x42: {  	v2 =	vcvt.f32.s32 v2  }
0x43: {  	v4 =	vadd.f32 $-1.800000000e+01, v6;
	v5 =	vtrunc.f32 v5  }
0x44: {  	v5 =	vcvt.f32.s32 v5;
	v2 =	vadd.s32 $0x11, v2  }
0x45: {  	v4 =	vadd.f32 v4, v4;
	_ =	sdelay $0x1  }
0x46: {  	v4 =	vtrunc.f32 v4  }
0x47: {  	v4 =	vcvt.f32.s32 v4  }
0x48: {  	v8 =	vld.idx.msk [tilespmem:v2+s25+$0x0], $0xffff  }
0x49: {  	v4 =	vadd.s32 $0x11, v4;
	v2 =	vld.idx.msk [tilespmem:v5+s25+$0x0], $0xffff;
	_ =	sdelay $0x2  }
0x4a: {  	s10 =	simm.s32 $0x10  }
0x4b: {  	v5 =	vld [tilespmem:s10+$0x0]  }
0x4c: {  	v4 =	vld.idx.msk [tilespmem:v4+s25+$0x0], $0xffff;
	v9 =	vadd.s32 $0x7E, v2  }
0x4d: {  	v12 =	vadd.s32 $0x98, v8  }
0x4e: {  	v10 =	vld [tilespmem:s10+$0x1000];
	v7 =	vmul.u32 $0xE, v8;
	v14 =	vadd.s32 $0x8B, v2  }
0x4f: {  	v11 =	vld [tilespmem:s10+$0x2000];
	v8 =	vadd.s32 $0xA0, v8  }
0x50: {  	v1 =	vmax.f32 v1, $-2.000000000e+01;
	v15 =	vmax.f32 v5, $-3.000000000e+01;
	v7 =	vadd.s32 v2, v7  }
0x51: {  	v15 =	vmin.f32 v15, $5.000000000e+01;
	v13 =	vmul.u32 $0xE, v4;
	v20 =	vadd.s32 $0xE, v7;
	v9 =	vld.idx.msk [tilespmem:v9+s23+$0x0], $0xffff  }
0x52: {  	v16 =	vadd.f32 $3.000000000e+01, v15;
	v22 =	vadd.s32 $0x98, v4;
	v21 =	vadd.s32 $0xF, v7;
	v12 =	vld.idx.msk [tilespmem:v12+s23+$0x0], $0xffff  }
0x53: {  	v4 =	vadd.s32 $0xA0, v4;
	v13 =	vadd.s32 v2, v13;
	v2 =	vmax.f32 v10, $1.800000000e+01;
	v14 =	vld.idx.msk [tilespmem:v14+s23+$0x0], $0xffff  }
0x54: {  	v16 =	vmul.f32 $2.000000030e-01, v16;
	v17 =	vmin.f32 v2, $3.200000000e+01;
	v2 =	vmax.f32 v11, $1.800000000e+01;
	v8 =	vld.idx.msk [tilespmem:v8+s23+$0x0], $0xffff  }
0x55: {  	v19 =	vadd.s32 $0x1, v13;
	v11 =	vadd.f32 $-1.800000000e+01, v17;
	v2 =	vmin.f32 v2, $3.200000000e+01;
	v18 =	vld.idx.msk [tilespmem:v7+s23+$0x0], $0xffff  }
0x56: {  	v25 =	vadd.s32 $0x1, v7;
	v10 =	vadd.s32 $0xE, v13;
	v23 =	vadd.f32 $-1.800000000e+01, v2;
	v20 =	vld.idx.msk [tilespmem:v20+s23+$0x0], $0xffff  }
0x57: {  	v16 =	vtrunc.f32 v16;
	v7 =	vmin.f32 v1, $4.500000000e+01;
	v11 =	vadd.f32 v11, v11;
	v1 =	vld.idx.msk [tilespmem:v21+s23+$0x0], $0xffff  }
0x58: {  	v16 =	vcvt.f32.s32 v16;
	v22 =	vld.idx.msk [tilespmem:v22+s23+$0x0], $0xffff;
	v23 =	vadd.f32 v23, v23  }
0x59: {  	v24 =	vld.idx.msk [tilespmem:v13+s23+$0x0], $0xffff;
	v13 =	vadd.s32 $0xF, v13;
	v11 =	vtrunc.f32 v11;
	v0 =	vmul.f32 v9, v0  }
0x5a: {  	v19 =	vld.idx.msk [tilespmem:v19+s23+$0x0], $0xffff;
	v11 =	vcvt.f32.s32 v11;
	v23 =	vtrunc.f32 v23  }
0x5b: {  	v4 =	vld.idx.msk [tilespmem:v4+s23+$0x0], $0xffff;
	v21 =	vadd.f32 $2.000000000e+01, v7;
	v9 =	vcvt.f32.s32 v23  }
0x5c: {  	v10 =	vld.idx.msk [tilespmem:v10+s23+$0x0], $0xffff;
	v14 =	vadd.f32 v14, v0;
	v11 =	vadd.s32 $0x11, v11;
	v1 =	vsub.f32 v1, v20  }
0x5d: {  	v5 =	vmax.f32 v5, $-2.000000000e+01;
	v21 =	vmul.f32 $2.000000030e-01, v21;
	v3 =	vmul.f32 v12, v3;
	v23 =	vld.idx.msk [tilespmem:v25+s23+$0x0], $0xffff  }
0x5e: {  	v0 =	vmin.f32 v5, $4.500000000e+01;
	v5 =	vadd.s32 $0x11, v9;
	v9 =	vld.idx.msk [tilespmem:v13+s23+$0x0], $0xffff;
	v1 =	vmul.f32 v1, v14  }
0x5f: {  	s12 =	simm.s32 $0x20;
	v16 =	vld.idx.msk [tilespmem:v16+s25+$0x0], $0xffff;
	v13 =	vtrunc.f32 v21;
	v21 =	vadd.f32 $2.000000000e+01, v0;
	v19 =	vsub.f32 v19, v24  }
0x60: {  	v6 =	vmul.f32 v22, v6;
	v13 =	vcvt.f32.s32 v13;
	v1 =	vadd.f32 v1, v20;
	v20 =	vld [tilespmem:s12+$0x0]  }
0x61: {  	v8 =	vadd.f32 v8, v3;
	v12 =	vmul.f32 v19, v14;
	v19 =	vmul.f32 $2.000000030e-01, v21;
	v11 =	vld.idx.msk [tilespmem:v11+s25+$0x0], $0xffff  }
0x62: {  	v4 =	vadd.f32 v4, v6;
	v21 =	vsub.f32 v23, v18  }
0x63: {  	v22 =	vld [tilespmem:s12+$0x1000];
	v13 =	vadd.s32 $0x2E, v13;
	v19 =	vtrunc.f32 v19;
	v9 =	vsub.f32 v9, v10  }
0x64: {  	v27 =	vadd.s32 $0x8B, v16;
	v5 =	vld.idx.msk [tilespmem:v5+s25+$0x0], $0xffff;
	v6 =	vcvt.f32.s32 v19;
	v19 =	vmul.f32 v21, v14  }
0x65: {  	v12 =	vadd.f32 v12, v24;
	v21 =	vadd.s32 $0x7E, v16;
	v9 =	vmul.f32 v9, v14  }
0x66: {  	v14 =	vld [tilespmem:s12+$0x2000];
	v18 =	vadd.f32 v19, v18;
	v26 =	vmax.f32 v20, $-3.000000000e+01;
	v3 =	vmul.u32 $0xE, v11  }
0x67: {  	v19 =	vadd.s32 $0xA0, v11;
	v11 =	vadd.s32 $0x98, v11;
	v9 =	vadd.f32 v9, v10  }
0x68: {  	v28 =	vld.idx.msk [tilespmem:v13+s25+$0x0], $0xffff;
	v13 =	vmax.f32 v22, $1.800000000e+01;
	v6 =	vadd.s32 $0x2E, v6;
	v1 =	vsub.f32 v1, v18  }
0x69: {  	v23 =	vadd.s32 v16, v3;
	v3 =	vmul.u32 $0xE, v5;
	v22 =	vsub.f32 v9, v12  }
0x6a: {  	v10 =	vld [tilespmem:s9+$0x3000];
	v9 =	vmin.f32 v13, $3.200000000e+01;
	v24 =	vadd.s32 $0x1, v23;
	v25 =	vadd.s32 $0xE, v23  }
0x6b: {  	v21 =	vld.idx.msk [tilespmem:v21+s23+$0x0], $0xffff;
	v13 =	vmax.f32 v14, $1.800000000e+01;
	v1 =	vmul.f32 v1, v8;
	v8 =	vadd.f32 $-1.800000000e+01, v9  }
0x6c: {  	v16 =	vadd.s32 v16, v3;
	v3 =	vmin.f32 v26, $5.000000000e+01;
	v13 =	vmin.f32 v13, $3.200000000e+01;
	v11 =	vld.idx.msk [tilespmem:v11+s23+$0x0], $0xffff  }
0x6d: {  	v4 =	vmul.f32 v22, v4;
	v26 =	vadd.f32 $3.000000000e+01, v3;
	v30 =	vadd.s32 $0x1, v16;
	v19 =	vld.idx.msk [tilespmem:v19+s23+$0x0], $0xffff  }
0x6e: {  	v29 =	vadd.s32 $0xE, v16;
	v8 =	vadd.f32 v8, v8;
	v1 =	vadd.f32 v1, v18;
	v14 =	vld.idx.msk [tilespmem:v23+s23+$0x0], $0xffff  }
0x6f: {  	v4 =	vadd.f32 v4, v12;
	v22 =	vmul.f32 $2.000000030e-01, v26;
	v26 =	vld.idx.msk [tilespmem:v27+s23+$0x0], $0xffff;
	v23 =	vadd.s32 $0xF, v23  }
0x70: {  	v31 =	vadd.f32 $-1.800000000e+01, v13;
	v27 =	vadd.s32 $0x98, v5;
	v15 =	vmul.f32 v21, v15;
	v21 =	vld.idx.msk [tilespmem:v25+s23+$0x0], $0xffff  }
0x71: {  	v5 =	vadd.s32 $0xA0, v5;
	v8 =	vtrunc.f32 v8;
	v1 =	vmin.f32 v1, v4;
	v32 =	vld.idx.msk [tilespmem:v16+s23+$0x0], $0xffff  }
0x72: {  	v8 =	vcvt.f32.s32 v8;
	v12 =	vtrunc.f32 v22;
	v16 =	vadd.s32 $0xF, v16;
	v18 =	vld.idx.msk [tilespmem:v30+s23+$0x0], $0xffff  }
0x73: {  	v10 =	vsub.f32 v1, v10;
	v1 =	vmax.f32 v20, $-2.000000000e+01;
	v22 =	vld.idx.msk [tilespmem:v29+s23+$0x0], $0xffff;
	v29 =	vadd.f32 v31, v31  }
0x74: {  	v12 =	vcvt.f32.s32 v12;
	v11 =	vmul.f32 v11, v17;
	v8 =	vadd.s32 $0x11, v8;
	v4 =	vld.idx.msk [tilespmem:v23+s23+$0x0], $0xffff  }
0x75: {  	v1 =	vmin.f32 v1, $4.500000000e+01;
	v10 =	vmax.f32 v10, $-2.000000000e+01;
	v23 =	vtrunc.f32 v29;
	v17 =	vld.idx.msk [tilespmem:v27+s23+$0x0], $0xffff  }
0x76: {  	v24 =	vld.idx.msk [tilespmem:v24+s23+$0x0], $0xffff;
	v15 =	vadd.f32 v26, v15;
	v25 =	vmin.f32 v10, $2.000000000e+01;
	v20 =	vcvt.f32.s32 v23  }
0x77: {  	v5 =	vld.idx.msk [tilespmem:v5+s23+$0x0], $0xffff;
	v26 =	vadd.s32 $0xB0, v28;
	v23 =	vadd.f32 $2.000000000e+01, v1;
	v18 =	vsub.f32 v18, v32  }
0x78: {  	v27 =	vadd.s32 $0xA8, v28;
	v16 =	vld.idx.msk [tilespmem:v16+s23+$0x0], $0xffff;
	v10 =	vadd.s32 $0x11, v20;
	v20 =	vadd.f32 $2.000000000e+01, v25  }
0x79: {  	v23 =	vmul.f32 $2.000000030e-01, v23;
	v8 =	vld.idx.msk [tilespmem:v8+s25+$0x0], $0xffff;
	v18 =	vmul.f32 v18, v15;
	v4 =	vsub.f32 v4, v21  }
0x7a: {  	v11 =	vadd.f32 v19, v11;
	v12 =	vld.idx.msk [tilespmem:v12+s25+$0x0], $0xffff;
	v20 =	vmul.f32 $2.000000030e-01, v20;
	v2 =	vmul.f32 v17, v2  }
0x7b: {  	v23 =	vtrunc.f32 v23;
	v4 =	vmul.f32 v4, v15;
	v17 =	vadd.f32 v18, v32  }
0x7c: {  	v18 =	vtrunc.f32 v20;
	v20 =	vsub.f32 v24, v14;
	v2 =	vadd.f32 v5, v2  }
0x7d: {  	v16 =	vsub.f32 v16, v22;
	v5 =	vcvt.f32.s32 v18;
	v18 =	vcvt.f32.s32 v23  }
0x7e: {  	s14 =	simm.s32 $0x30;
	v10 =	vld.idx.msk [tilespmem:v10+s25+$0x0], $0xffff;
	v28 =	vadd.s32 $0xA0, v8;
	v24 =	vmul.u32 $0xE, v8;
	v20 =	vmul.f32 v20, v15  }
0x7f: {  	v23 =	vld [tilespmem:s14+$0x0];
	v4 =	vadd.f32 v4, v21;
	v21 =	vadd.s32 $0x7E, v12;
	v56 =	vadd.s32 $0x8B, v12  }
0x80: {  	v19 =	vld [tilespmem:s14+$0x1000];
	vm0 =	vlt.s32 v5, $0x7;
	v24 =	vadd.s32 v12, v24;
	v14 =	vadd.f32 v20, v14  }
0x81: {  	v33 =	vld.idx.msk [tilespmem:v6+s25+$0x0], $0xffff;
	v20 =	vadd.s32 $0x98, v8;
	v8 =	vmul.f32 v16, v15;
	v16 =	vnsel vm0, $0x7, v5  }
0x82: {  	v15 =	vld [tilespmem:s14+$0x2000];
	v30 =	vadd.s32 $0x1, v24;
	v31 =	vadd.s32 $0xE, v24;
	v58 =	vadd.s32 $0xC0, v16  }
0x83: {  	v29 =	vld [tilespmem:s10+$0x3000];
	v60 =	vadd.s32 $0xB8, v16;
	v5 =	vmul.u32 $0xE, v10;
	v4 =	vsub.f32 v4, v14  }
0x84: {  	v27 =	vld.idx.msk [tilespmem:v27+s23+$0x0], $0xffff;
	v8 =	vadd.f32 v8, v22;
	v22 =	vmax.f32 v23, $-3.000000000e+01;
	v37 =	vadd.s32 $0xA0, v10  }
0x85: {  	v6 =	vmin.f32 v22, $5.000000000e+01;
	v22 =	vld.idx.msk [tilespmem:v26+s23+$0x0], $0xffff;
	v12 =	vadd.s32 v12, v5;
	v5 =	vmax.f32 v19, $1.800000000e+01  }
0x86: {  	v21 =	vld.idx.msk [tilespmem:v21+s23+$0x0], $0xffff;
	v19 =	vsub.f32 v8, v17;
	v26 =	vadd.f32 $3.000000000e+01, v6;
	v11 =	vmul.f32 v4, v11  }
0x87: {  	v8 =	vld.idx.msk [tilespmem:v24+s23+$0x0], $0xffff;
	v5 =	vmin.f32 v5, $3.200000000e+01;
	v15 =	vmax.f32 v15, $1.800000000e+01;
	v35 =	vadd.s32 $0x1, v12  }
0x88: {  	v34 =	vadd.s32 $0xE, v12;
	v36 =	vadd.f32 $-1.800000000e+01, v5;
	v4 =	vmin.f32 v15, $3.200000000e+01;
	v15 =	vld.idx.msk [tilespmem:v20+s23+$0x0], $0xffff  }
0x89: {  	v2 =	vmul.f32 v19, v2;
	v19 =	vmul.f32 $2.000000030e-01, v26;
	v20 =	vadd.s32 $0xF, v24;
	v24 =	vld.idx.msk [tilespmem:v56+s23+$0x0], $0xffff  }
0x8a: {  	v30 =	vld.idx.msk [tilespmem:v30+s23+$0x0], $0xffff;
	v26 =	vadd.s32 $0x98, v10;
	v11 =	vadd.f32 v11, v14;
	v57 =	vadd.f32 $-1.800000000e+01, v4  }
0x8b: {  	v2 =	vadd.f32 v2, v17;
	v17 =	vtrunc.f32 v19;
	v19 =	vadd.f32 v36, v36;
	v38 =	vld.idx.msk [tilespmem:v12+s23+$0x0], $0xffff  }
0x8c: {  	v3 =	vmul.f32 v21, v3;
	v21 =	vadd.s32 $0xF, v12;
	v16 =	vadd.f32 v57, v57;
	v14 =	vld.idx.msk [tilespmem:v35+s23+$0x0], $0xffff  }
0x8d: {  	v59 =	vcvt.f32.s32 v17;
	v17 =	vld.idx.msk [tilespmem:v31+s23+$0x0], $0xffff;
	v12 =	vtrunc.f32 v19;
	v2 =	vmin.f32 v11, v2  }
0x8e: {  	v15 =	vmul.f32 v15, v9;
	v19 =	vld.idx.msk [tilespmem:v20+s23+$0x0], $0xffff;
	v9 =	vtrunc.f32 v16;
	v16 =	vadd.f32 v24, v3  }
0x8f: {  	v20 =	vld.idx.msk [tilespmem:v26+s23+$0x0], $0xffff;
	v3 =	vsub.f32 v2, v29;
	v2 =	vmax.f32 v23, $-2.000000000e+01;
	v12 =	vcvt.f32.s32 v12  }
0x90: {  	v11 =	vadd.s32 $0x2E, v18;
	v26 =	vld.idx.msk [tilespmem:v58+s23+$0x0], $0xffff;
	v9 =	vcvt.f32.s32 v9;
	v2 =	vmin.f32 v2, $4.500000000e+01  }
0x91: {  	v29 =	vld.idx.msk [tilespmem:v37+s23+$0x0], $0xffff;
	v3 =	vmax.f32 v3, $-2.000000000e+01;
	v18 =	vadd.s32 $0x11, v12;
	v14 =	vsub.f32 v14, v38  }
0x92: {  	v23 =	vadd.f32 $2.000000000e+01, v2;
	v24 =	vld.idx.msk [tilespmem:v21+s23+$0x0], $0xffff;
	v21 =	vmul.f32 v22, v7;
	v3 =	vmin.f32 v3, $2.000000000e+01  }
0x93: {  	v10 =	vld.idx.msk [tilespmem:v34+s23+$0x0], $0xffff;
	v31 =	vadd.s32 $0x11, v9;
	v61 =	vmul.f32 v14, v16;
	v14 =	vadd.f32 $2.000000000e+01, v3  }
0x94: {  	v12 =	vld.idx.msk [tilespmem:v60+s23+$0x0], $0xffff;
	v7 =	vadd.s32 $0xA8, v33;
	v9 =	vadd.s32 $0xB0, v33;
	v22 =	vmul.f32 $2.000000030e-01, v23  }
0x95: {  	v23 =	vld.idx.msk [tilespmem:v59+s25+$0x0], $0xffff;
	v19 =	vsub.f32 v19, v17;
	v63 =	vmul.f32 v20, v13;
	v62 =	vmul.f32 $2.000000030e-01, v14  }
0x96: {  	v13 =	vadd.f32 v21, v27;
	v22 =	vtrunc.f32 v22;
	v14 =	vmul.f32 v25, v26;
	v25 =	vld.idx.msk [tilespmem:v28+s23+$0x0], $0xffff  }
0x97: {  	v27 =	vmul.f32 v19, v16;
	v21 =	vadd.f32 v29, v63;
	v26 =	vld.idx.msk [tilespmem:v18+s25+$0x0], $0xffff;
	v19 =	vtrunc.f32 v62  }
0x98: {  	s5 =	simm.s32 $0x100;
	v18 =	vadd.f32 v61, v38;
	v20 =	vld.idx.msk [tilespmem:v31+s25+$0x0], $0xffff;
	v28 =	vsub.f32 v30, v8;
	v19 =	vcvt.f32.s32 v19  }
.LBB2_3:
0x99: {  	s15 =	sshra.s32 s5, $0x2;
	p0 =	sne.s32 s5, $0x3FC0;
	s5 =	sadd.s32 $0x40, s5;
	v22 =	vcvt.f32.s32 v22;
	v17 =	vadd.f32 v27, v17;
	v12 =	vadd.f32 v14, v12  }
0x9a: {  	v27 =	vadd.s32 $0x7E, v23;
	v24 =	vsub.f32 v24, v10;
	v14 =	vld [tilespmem:s15+$0x0];
	v28 =	vmul.f32 v28, v16  }
0x9b: {  	v15 =	vadd.f32 v25, v15;
	vm0 =	vlt.s32 v19, $0x7;
	v29 =	vld [tilespmem:s15+$0x2000];
	v12 =	vmin.f32 v13, v12  }
0x9c: {  	v25 =	vadd.s32 $0xA0, v26;
	v30 =	vmul.u32 $0xE, v26;
	v13 =	vld [tilespmem:s15+$0x1000];
	v28 =	vadd.f32 v28, v8;
	[tilespmem:s9+$0x8000] =	vst v12;
	s9 =	smov.u32 s10;
	s10 =	smov.u32 s12;
	s12 =	smov.u32 s14  }
0x9d: {  	v12 =	vadd.s32 $0x98, v26;
	v8 =	vmul.f32 v24, v16;
	v16 =	vnsel vm0, $0x7, v19;
	s14 =	smov.u32 s15  }
0x9e: {  	v19 =	vadd.s32 v23, v30;
	v24 =	vmul.u32 $0xE, v20;
	v26 =	vld [tilespmem:s10+$0x3000];
	v17 =	vsub.f32 v17, v28  }
0x9f: {  	v30 =	vadd.s32 $0x1, v19;
	v31 =	vadd.s32 $0xE, v19;
	v8 =	vadd.f32 v8, v10;
	v32 =	vld.idx.msk [tilespmem:v7+s23+$0x0], $0xffff  }
0xa0: {  	v10 =	vadd.s32 $0x8B, v23;
	v7 =	vmax.f32 v14, $-3.000000000e+01;
	v23 =	vadd.s32 v23, v24;
	v33 =	vld.idx.msk [tilespmem:v11+s25+$0x0], $0xffff  }
0xa1: {  	v7 =	vmin.f32 v7, $5.000000000e+01;
	v11 =	vmax.f32 v13, $1.800000000e+01;
	v13 =	vsub.f32 v8, v18;
	v34 =	vld.idx.msk [tilespmem:v9+s23+$0x0], $0xffff  }
0xa2: {  	v9 =	vadd.f32 $3.000000000e+01, v7;
	v11 =	vmin.f32 v11, $3.200000000e+01;
	v24 =	vld.idx.msk [tilespmem:v27+s23+$0x0], $0xffff;
	v27 =	vadd.s32 $0xE, v23  }
0xa3: {  	v29 =	vmax.f32 v29, $1.800000000e+01;
	v35 =	vadd.s32 $0x1, v23;
	v15 =	vmul.f32 v17, v15;
	v8 =	vld.idx.msk [tilespmem:v19+s23+$0x0], $0xffff  }
0xa4: {  	v29 =	vmin.f32 v29, $3.200000000e+01;
	v17 =	vadd.f32 $-1.800000000e+01, v11;
	v13 =	vmul.f32 v13, v21;
	v12 =	vld.idx.msk [tilespmem:v12+s23+$0x0], $0xffff  }
0xa5: {  	v36 =	vadd.s32 $0x98, v20;
	v9 =	vmul.f32 $2.000000030e-01, v9;
	v19 =	vadd.s32 $0xF, v19;
	v21 =	vld.idx.msk [tilespmem:v10+s23+$0x0], $0xffff  }
0xa6: {  	v20 =	vadd.s32 $0xA0, v20;
	v37 =	vadd.f32 $-1.800000000e+01, v29;
	v13 =	vadd.f32 v13, v18;
	v38 =	vld.idx.msk [tilespmem:v23+s23+$0x0], $0xffff  }
0xa7: {  	v9 =	vtrunc.f32 v9;
	v18 =	vadd.f32 v17, v17;
	v10 =	vld.idx.msk [tilespmem:v27+s23+$0x0], $0xffff;
	v27 =	vadd.s32 $0xC0, v16  }
0xa8: {  	v28 =	vadd.f32 v15, v28;
	v39 =	vcvt.f32.s32 v9;
	v9 =	vld.idx.msk [tilespmem:v35+s23+$0x0], $0xffff;
	v35 =	vadd.s32 $0xB8, v16  }
0xa9: {  	v23 =	vadd.s32 $0xF, v23;
	v24 =	vmul.f32 v24, v6;
	v6 =	vmovc v7;
	v16 =	vadd.f32 v37, v37;
	v17 =	vld.idx.msk [tilespmem:v31+s23+$0x0], $0xffff  }
0xaa: {  	v7 =	vtrunc.f32 v18;
	v15 =	vmul.f32 v12, v5;
	v12 =	vmin.f32 v28, v13;
	v5 =	vmovc v11;
	v18 =	vld.idx.msk [tilespmem:v19+s23+$0x0], $0xffff  }
0xab: {  	v11 =	vtrunc.f32 v16;
	v16 =	vadd.f32 v21, v24;
	v12 =	vsub.f32 v12, v26;
	v13 =	vld.idx.msk [tilespmem:v36+s23+$0x0], $0xffff  }
0xac: {  	v14 =	vmax.f32 v14, $-2.000000000e+01;
	v7 =	vcvt.f32.s32 v7;
	v19 =	vcvt.f32.s32 v11;
	v21 =	vld.idx.msk [tilespmem:v27+s23+$0x0], $0xffff  }
0xad: {  	v14 =	vmin.f32 v14, $4.500000000e+01;
	v11 =	vadd.s32 $0x2E, v22;
	v31 =	vld.idx.msk [tilespmem:v20+s23+$0x0], $0xffff;
	v20 =	vmax.f32 v12, $-2.000000000e+01  }
0xae: {  	v26 =	vadd.s32 $0x11, v7;
	v19 =	vadd.s32 $0x11, v19;
	v7 =	vsub.f32 v9, v38;
	v12 =	vld.idx.msk [tilespmem:v35+s23+$0x0], $0xffff  }
0xaf: {  	v22 =	vadd.f32 $2.000000000e+01, v14;
	v9 =	vadd.s32 $0xB0, v33;
	v20 =	vmin.f32 v20, $2.000000000e+01;
	v28 =	vld.idx.msk [tilespmem:v30+s23+$0x0], $0xffff  }
0xb0: {  	v34 =	vmul.f32 v34, v0;
	v0 =	vmovc v1;
	v30 =	vmul.f32 v7, v16;
	v27 =	vadd.f32 $2.000000000e+01, v20;
	v24 =	vld.idx.msk [tilespmem:v23+s23+$0x0], $0xffff  }
.Ltmp0:
0xb1: {  	v1 =	vmovc v2;
	v2 =	vmovc v14;
	v22 =	vmul.f32 $2.000000030e-01, v22;
	v18 =	vsub.f32 v18, v17;
	v7 =	vadd.s32 $0xA8, v33;
	v23 =	vld.idx.msk [tilespmem:v39+s25+$0x0], $0xffff;
	(pc) =	sbr.rel @p0 .LBB2_3-.Ltmp0, $4  }
0xb2: {  	v33 =	vmul.f32 $2.000000030e-01, v27;
	v14 =	vmul.f32 v3, v21;
	v3 =	vmov v20;
	v25 =	vld.idx.msk [tilespmem:v25+s23+$0x0], $0xffff  }
0xb3: {  	v22 =	vtrunc.f32 v22;
	v21 =	vmul.f32 v13, v4;
	v13 =	vadd.f32 v34, v32;
	v4 =	vmovc v29;
	v26 =	vld.idx.msk [tilespmem:v26+s25+$0x0], $0xffff  }
0xb4: {  	v27 =	vmul.f32 v18, v16;
	v18 =	vadd.f32 v30, v38;
	v29 =	vtrunc.f32 v33  }
0xb5: {  	v21 =	vadd.f32 v31, v21;
	v28 =	vsub.f32 v28, v8;
	v20 =	vld.idx.msk [tilespmem:v19+s25+$0x0], $0xffff;
	v19 =	vcvt.f32.s32 v29  }
0xb6: {  	_ = 	snop  }
0xb7: {  	v30 =	vadd.s32 $0x7E, v23  }
0xb8: {  	v33 =	vadd.s32 $0x8B, v23;
	v29 =	vmul.u32 $0xE, v26  }
0xb9: {  	v31 =	vadd.s32 $0x98, v26  }
0xba: {  	v29 =	vadd.s32 v23, v29;
	v32 =	vmul.u32 $0xE, v20  }
0xbb: {  	v36 =	vadd.s32 $0xE, v29  }
0xbc: {  	v30 =	vld.idx.msk [tilespmem:v30+s23+$0x0], $0xffff;
	v23 =	vadd.s32 v23, v32  }
0xbd: {  	v33 =	vld.idx.msk [tilespmem:v33+s23+$0x0], $0xffff;
	v37 =	vadd.s32 $0xF, v29  }
0xbe: {  	v32 =	vadd.s32 $0xE, v23;
	v31 =	vld.idx.msk [tilespmem:v31+s23+$0x0], $0xffff  }
0xbf: {  	v35 =	vadd.s32 $0x1, v23;
	v34 =	vld.idx.msk [tilespmem:v29+s23+$0x0], $0xffff  }
0xc0: {  	v29 =	vadd.s32 $0x1, v29;
	v36 =	vld.idx.msk [tilespmem:v36+s23+$0x0], $0xffff  }
0xc1: {  	v38 =	vld.idx.msk [tilespmem:v23+s23+$0x0], $0xffff;
	v23 =	vadd.s32 $0xF, v23  }
0xc2: {  	v24 =	vsub.f32 v24, v10;
	v37 =	vld.idx.msk [tilespmem:v37+s23+$0x0], $0xffff  }
0xc3: {  	v28 =	vmul.f32 v28, v16;
	v32 =	vld.idx.msk [tilespmem:v32+s23+$0x0], $0xffff  }
0xc4: {  	v16 =	vmul.f32 v24, v16;
	v24 =	vadd.s32 $0x98, v20;
	v35 =	vld.idx.msk [tilespmem:v35+s23+$0x0], $0xffff  }
0xc5: {  	v17 =	vadd.f32 v27, v17;
	v8 =	vadd.f32 v28, v8;
	v20 =	vadd.s32 $0xA0, v20;
	v27 =	vld.idx.msk [tilespmem:v29+s23+$0x0], $0xffff  }
0xc6: {  	v26 =	vadd.s32 $0xA0, v26;
	v10 =	vadd.f32 v16, v10;
	v16 =	vld.idx.msk [tilespmem:v23+s23+$0x0], $0xffff  }
0xc7: {  	v15 =	vadd.f32 v25, v15;
	v17 =	vsub.f32 v17, v8;
	v6 =	vmul.f32 v30, v6  }
0xc8: {  	v10 =	vsub.f32 v10, v18  }
0xc9: {  	v15 =	vmul.f32 v17, v15;
	v17 =	vld.idx.msk [tilespmem:v24+s23+$0x0], $0xffff;
	v6 =	vadd.f32 v33, v6  }
0xca: {  	v10 =	vmul.f32 v10, v21;
	v20 =	vld.idx.msk [tilespmem:v20+s23+$0x0], $0xffff;
	v23 =	vsub.f32 v37, v36;
	v21 =	vsub.f32 v35, v38  }
0xcb: {  	v24 =	vld.idx.msk [tilespmem:v26+s23+$0x0], $0xffff;
	v5 =	vmul.f32 v31, v5;
	v25 =	vsub.f32 v27, v34;
	v16 =	vsub.f32 v16, v32  }
0xcc: {  	v10 =	vadd.f32 v10, v18;
	v18 =	vmul.f32 v21, v6;
	v21 =	vmul.f32 v23, v6  }
0xcd: {  	v8 =	vadd.f32 v15, v8;
	v15 =	vmul.f32 v25, v6;
	v6 =	vmul.f32 v16, v6  }
0xce: {  	v4 =	vmul.f32 v17, v4;
	v17 =	vadd.f32 v21, v36;
	v16 =	vadd.f32 v18, v38  }
0xcf: {  	v18 =	vld [tilespmem:s12+$0x3000];
	v15 =	vadd.f32 v15, v34;
	v6 =	vadd.f32 v6, v32  }
0xd0: {  	v5 =	vadd.f32 v24, v5;
	v4 =	vadd.f32 v20, v4  }
0xd1: {  	v17 =	vsub.f32 v17, v15;
	v6 =	vsub.f32 v6, v16;
	_ =	sdelay $0x1  }
0xd2: {  	v8 =	vmin.f32 v8, v10;
	v10 =	vld [tilespmem:s14+$0x3000];
	v5 =	vmul.f32 v17, v5;
	v4 =	vmul.f32 v6, v4  }
0xd3: {  	v6 =	vsub.f32 v8, v18  }
0xd4: {  	v5 =	vadd.f32 v5, v15;
	v4 =	vadd.f32 v4, v16;
	_ =	sdelay $0x1  }
0xd5: {  	v6 =	vmax.f32 v6, $-2.000000000e+01;
	v4 =	vmin.f32 v5, v4  }
0xd6: {  	v6 =	vmin.f32 v6, $2.000000000e+01;
	v5 =	vcvt.f32.s32 v22;
	v4 =	vsub.f32 v4, v10  }
0xd7: {  	v8 =	vadd.f32 $2.000000000e+01, v6  }
0xd8: {  	v5 =	vadd.s32 $0x2E, v5;
	v4 =	vmax.f32 v4, $-2.000000000e+01  }
0xd9: {  	v10 =	vld.idx.msk [tilespmem:v11+s25+$0x0], $0xffff;
	v8 =	vmul.f32 $2.000000030e-01, v8;
	v4 =	vmin.f32 v4, $2.000000000e+01  }
0xda: {  	vm0 =	vlt.s32 v19, $0x7;
	v11 =	vadd.f32 $2.000000000e+01, v4  }
0xdb: {  	v15 =	vnsel vm0, $0x7, v19;
	v8 =	vtrunc.f32 v8  }
0xdc: {  	v16 =	vadd.s32 $0xC0, v15;
	v8 =	vcvt.f32.s32 v8;
	v11 =	vmul.f32 $2.000000030e-01, v11  }
0xdd: {  	v15 =	vadd.s32 $0xB8, v15;
	v5 =	vld.idx.msk [tilespmem:v5+s25+$0x0], $0xffff  }
0xde: {  	v17 =	vadd.s32 $0xA8, v10;
	vm13 =	vlt.s32 v8, $0x7;
	v11 =	vtrunc.f32 v11  }
0xdf: {  	v7 =	vld.idx.msk [tilespmem:v7+s23+$0x0], $0xffff;
	v10 =	vadd.s32 $0xB0, v10;
	v8 =	vnsel vm13, $0x7, v8;
	v11 =	vcvt.f32.s32 v11  }
0xe0: {  	v9 =	vld.idx.msk [tilespmem:v9+s23+$0x0], $0xffff;
	v18 =	vadd.s32 $0xC0, v8  }
0xe1: {  	v16 =	vld.idx.msk [tilespmem:v16+s23+$0x0], $0xffff;
	v8 =	vadd.s32 $0xB8, v8;
	vm14 =	vlt.s32 v11, $0x7  }
0xe2: {  	v15 =	vld.idx.msk [tilespmem:v15+s23+$0x0], $0xffff;
	v19 =	vadd.s32 $0xB0, v5;
	v11 =	vnsel vm14, $0x7, v11  }
0xe3: {  	v17 =	vld.idx.msk [tilespmem:v17+s23+$0x0], $0xffff;
	v20 =	vadd.s32 $0xC0, v11  }
0xe4: {  	v10 =	vld.idx.msk [tilespmem:v10+s23+$0x0], $0xffff;
	v5 =	vadd.s32 $0xA8, v5  }
0xe5: {  	v18 =	vld.idx.msk [tilespmem:v18+s23+$0x0], $0xffff;
	v11 =	vadd.s32 $0xB8, v11  }
0xe6: {  	v8 =	vld.idx.msk [tilespmem:v8+s23+$0x0], $0xffff  }
0xe7: {  	v19 =	vld.idx.msk [tilespmem:v19+s23+$0x0], $0xffff  }
0xe8: {  	v20 =	vld.idx.msk [tilespmem:v20+s23+$0x0], $0xffff  }
0xe9: {  	v0 =	vmul.f32 v9, v0;
	v5 =	vld.idx.msk [tilespmem:v5+s23+$0x0], $0xffff  }
0xea: {  	v3 =	vmul.f32 v3, v16;
	v9 =	vld.idx.msk [tilespmem:v11+s23+$0x0], $0xffff  }
0xeb: {  	v0 =	vadd.f32 v0, v7  }
0xec: {  	v3 =	vadd.f32 v3, v15;
	v1 =	vmul.f32 v10, v1;
	v6 =	vmul.f32 v6, v18  }
0xed: {  	v11 =	vadd.f32 v14, v12;
	v2 =	vmul.f32 v19, v2;
	v4 =	vmul.f32 v4, v20  }
0xee: {  	v0 =	vmin.f32 v0, v3;
	v1 =	vadd.f32 v1, v17;
	v6 =	vadd.f32 v6, v8  }
0xef: {  	s5 =	sshll.u32 s4, $0x6;
	p0 =	seq.s32 s4, $0x3;
	[tilespmem:s10+$0x8000] =	vst v0;
	v7 =	vmin.f32 v13, v11;
	v2 =	vadd.f32 v2, v5;
	v3 =	vadd.f32 v4, v9  }
0xf0: {  	[tilespmem:s9+$0x8000] =	vst v7;
	s9 =	sadd.s32 @!p0 s5, s19;
	v0 =	vmin.f32 v1, v6  }
0xf1: {  	s15 =	simm.s32 @!p0 $0x0;
	s9 =	sshll.u32 @!p0 s9, $0x7;
	[tilespmem:s12+$0x8000] =	vst v0;
	v0 =	vmin.f32 v2, v3  }
0xf2: {  	s10 =	sadd.s32 @!p0 s9, s7;
	s12 =	simm.s32 @!p0 $0x80;
	[tilespmem:s14+$0x8000] =	vst v0;
	s14 =	simm.s32 @!p0 $0x400  }
0xf3: {  	[tilespmem:s15], [sflag:$0x1] =	stream.strided.gather @!p0 [hbm4b:s10+s12], $0x1000, s14, s12, $0x38;
	[tilespmem:$0xA108] =	vst v63  }
0xf4: {  	s10 =	sadd.s32 @!p0 s9, s8;
	s15 =	simm.s32 @!p0 $0x1000  }
0xf5: {  	[tilespmem:s15], [sflag:$0x1] =	stream.strided.gather @!p0 [hbm4b:s10+s12], $0x1000, s14, s12, $0x38;
	[tilespmem:$0xA108] =	vst v63  }
0xf6: {  	s10 =	sadd.s32 @!p0 s9, s11;
	s15 =	simm.s32 @!p0 $0x2000  }
0xf7: {  	[tilespmem:s15], [sflag:$0x1] =	stream.strided.gather @!p0 [hbm4b:s10+s12], $0x1000, s14, s12, $0x38;
	[tilespmem:$0xA108] =	vst v63  }
0xf8: {  	s9 =	sadd.s32 @!p0 s9, s13;
	s10 =	simm.s32 @!p0 $0x3000;
	s15 =	sshll.u32 s4, $0xA  }
0xf9: {  	[tilespmem:s10], [sflag:$0x1] =	stream.strided.gather @!p0 [hbm4b:s9+s12], $0x1000, s14, s12, $0x38;
	[tilespmem:$0xA108] =	vst v63  }
0xfa: {  	s16 =	simm.s32 $0x0;
	s9 =	sadd.s32 s15, s20  }
0xfb: {  	[hbm4b:s9+s16] =	stream.linear.scatter [tilespmem:s0], [sflag:$0x3], $0x1000, $0x38;
	[tilespmem:$0xA108] =	vst v63  }
0xfc: {  	_ =	swait.ge [sflag:s24], $0x1000  }
0xfd: {  	[sflag:s24] =	ssyncset.done $0x0  }
0xfe: {  	[sflag:s24] =	ssyncadd.s32 $0xFFFFF000  }
0xff: {  	_ =	swait.ge [sflag:s3], $0x1000  }
0x100: {  	[sflag:s3] =	ssyncset.done $0x0  }
0x101: {  	[sflag:s3] =	ssyncadd.s32 $0xFFFFF000  }
0x102: {  	_ =	swait.ge [sflag:s3], $0x1000  }
0x103: {  	[sflag:s3] =	ssyncset.done $0x0  }
0x104: {  	[sflag:s3] =	ssyncadd.s32 $0xFFFFF000  }
0x105: {  	_ =	swait.ge [sflag:s3], $0x1000  }
0x106: {  	[sflag:s3] =	ssyncset.done $0x0  }
0x107: {  	[sflag:s3] =	ssyncadd.s32 $0xFFFFF000  }
0x108: {  	_ =	swait.ge [sflag:s3], $0x1000  }
0x109: {  	[sflag:s3] =	ssyncset.done $0x0  }
0x10a: {  	s9 =	simm.s32 $0x0;
	[sflag:s3] =	ssyncadd.s32 $0xFFFFF000  }
0x10b: {  	v0 =	vld [tilespmem:s9+$0x5000];
	_ =	sdelay $0x1  }
0x10c: {  	v1 =	vld [tilespmem:s9+$0x4000]  }
0x10d: {  	v2 =	vld [tilespmem:s9+$0x6000];
	_ =	sdelay $0x1  }
0x10e: {  	v0 =	vmax.f32 v0, $1.800000000e+01  }
0x10f: {  	v3 =	vmin.f32 v0, $3.200000000e+01  }
0x110: {  	v0 =	vmax.f32 v1, $-3.000000000e+01;
	v4 =	vadd.f32 $-1.800000000e+01, v3  }
0x111: {  	v2 =	vmax.f32 v2, $1.800000000e+01;
	v0 =	vmin.f32 v0, $5.000000000e+01  }
0x112: {  	v6 =	vmin.f32 v2, $3.200000000e+01;
	v5 =	vadd.f32 $3.000000000e+01, v0;
	v2 =	vadd.f32 v4, v4;
	_ =	sdelay $0x1  }
0x113: {  	v5 =	vmul.f32 $2.000000030e-01, v5;
	v2 =	vtrunc.f32 v2  }
0x114: {  	v2 =	vcvt.f32.s32 v2  }
0x115: {  	v4 =	vadd.f32 $-1.800000000e+01, v6;
	v5 =	vtrunc.f32 v5  }
0x116: {  	v5 =	vcvt.f32.s32 v5;
	v2 =	vadd.s32 $0x11, v2  }
0x117: {  	v4 =	vadd.f32 v4, v4;
	_ =	sdelay $0x1  }
0x118: {  	v4 =	vtrunc.f32 v4  }
0x119: {  	v4 =	vcvt.f32.s32 v4  }
0x11a: {  	v8 =	vld.idx.msk [tilespmem:v2+s25+$0x0], $0xffff  }
0x11b: {  	v4 =	vadd.s32 $0x11, v4;
	v2 =	vld.idx.msk [tilespmem:v5+s25+$0x0], $0xffff;
	_ =	sdelay $0x2  }
0x11c: {  	s10 =	simm.s32 $0x10  }
0x11d: {  	v5 =	vld [tilespmem:s10+$0x4000]  }
0x11e: {  	v4 =	vld.idx.msk [tilespmem:v4+s25+$0x0], $0xffff;
	v9 =	vadd.s32 $0x7E, v2  }
0x11f: {  	v12 =	vadd.s32 $0x98, v8  }
0x120: {  	v10 =	vld [tilespmem:s10+$0x5000];
	v7 =	vmul.u32 $0xE, v8;
	v14 =	vadd.s32 $0x8B, v2  }
0x121: {  	v11 =	vld [tilespmem:s10+$0x6000];
	v8 =	vadd.s32 $0xA0, v8  }
0x122: {  	v1 =	vmax.f32 v1, $-2.000000000e+01;
	v15 =	vmax.f32 v5, $-3.000000000e+01;
	v7 =	vadd.s32 v2, v7  }
0x123: {  	v15 =	vmin.f32 v15, $5.000000000e+01;
	v13 =	vmul.u32 $0xE, v4;
	v20 =	vadd.s32 $0xE, v7;
	v9 =	vld.idx.msk [tilespmem:v9+s23+$0x0], $0xffff  }
0x124: {  	v16 =	vadd.f32 $3.000000000e+01, v15;
	v22 =	vadd.s32 $0x98, v4;
	v21 =	vadd.s32 $0xF, v7;
	v12 =	vld.idx.msk [tilespmem:v12+s23+$0x0], $0xffff  }
0x125: {  	v4 =	vadd.s32 $0xA0, v4;
	v13 =	vadd.s32 v2, v13;
	v2 =	vmax.f32 v10, $1.800000000e+01;
	v14 =	vld.idx.msk [tilespmem:v14+s23+$0x0], $0xffff  }
0x126: {  	v16 =	vmul.f32 $2.000000030e-01, v16;
	v17 =	vmin.f32 v2, $3.200000000e+01;
	v2 =	vmax.f32 v11, $1.800000000e+01;
	v8 =	vld.idx.msk [tilespmem:v8+s23+$0x0], $0xffff  }
0x127: {  	v19 =	vadd.s32 $0x1, v13;
	v11 =	vadd.f32 $-1.800000000e+01, v17;
	v2 =	vmin.f32 v2, $3.200000000e+01;
	v18 =	vld.idx.msk [tilespmem:v7+s23+$0x0], $0xffff  }
0x128: {  	v25 =	vadd.s32 $0x1, v7;
	v10 =	vadd.s32 $0xE, v13;
	v23 =	vadd.f32 $-1.800000000e+01, v2;
	v20 =	vld.idx.msk [tilespmem:v20+s23+$0x0], $0xffff  }
0x129: {  	v16 =	vtrunc.f32 v16;
	v7 =	vmin.f32 v1, $4.500000000e+01;
	v11 =	vadd.f32 v11, v11;
	v1 =	vld.idx.msk [tilespmem:v21+s23+$0x0], $0xffff  }
0x12a: {  	v16 =	vcvt.f32.s32 v16;
	v22 =	vld.idx.msk [tilespmem:v22+s23+$0x0], $0xffff;
	v23 =	vadd.f32 v23, v23  }
0x12b: {  	v24 =	vld.idx.msk [tilespmem:v13+s23+$0x0], $0xffff;
	v13 =	vadd.s32 $0xF, v13;
	v11 =	vtrunc.f32 v11;
	v0 =	vmul.f32 v9, v0  }
0x12c: {  	v19 =	vld.idx.msk [tilespmem:v19+s23+$0x0], $0xffff;
	v11 =	vcvt.f32.s32 v11;
	v23 =	vtrunc.f32 v23  }
0x12d: {  	v4 =	vld.idx.msk [tilespmem:v4+s23+$0x0], $0xffff;
	v21 =	vadd.f32 $2.000000000e+01, v7;
	v9 =	vcvt.f32.s32 v23  }
0x12e: {  	v10 =	vld.idx.msk [tilespmem:v10+s23+$0x0], $0xffff;
	v14 =	vadd.f32 v14, v0;
	v11 =	vadd.s32 $0x11, v11;
	v1 =	vsub.f32 v1, v20  }
0x12f: {  	v5 =	vmax.f32 v5, $-2.000000000e+01;
	v21 =	vmul.f32 $2.000000030e-01, v21;
	v3 =	vmul.f32 v12, v3;
	v23 =	vld.idx.msk [tilespmem:v25+s23+$0x0], $0xffff  }
0x130: {  	v0 =	vmin.f32 v5, $4.500000000e+01;
	v5 =	vadd.s32 $0x11, v9;
	v9 =	vld.idx.msk [tilespmem:v13+s23+$0x0], $0xffff;
	v1 =	vmul.f32 v1, v14  }
0x131: {  	s12 =	simm.s32 $0x20;
	v16 =	vld.idx.msk [tilespmem:v16+s25+$0x0], $0xffff;
	v13 =	vtrunc.f32 v21;
	v21 =	vadd.f32 $2.000000000e+01, v0;
	v19 =	vsub.f32 v19, v24  }
0x132: {  	v6 =	vmul.f32 v22, v6;
	v13 =	vcvt.f32.s32 v13;
	v1 =	vadd.f32 v1, v20;
	v20 =	vld [tilespmem:s12+$0x4000]  }
0x133: {  	v8 =	vadd.f32 v8, v3;
	v12 =	vmul.f32 v19, v14;
	v19 =	vmul.f32 $2.000000030e-01, v21;
	v11 =	vld.idx.msk [tilespmem:v11+s25+$0x0], $0xffff  }
0x134: {  	v4 =	vadd.f32 v4, v6;
	v21 =	vsub.f32 v23, v18  }
0x135: {  	v22 =	vld [tilespmem:s12+$0x5000];
	v13 =	vadd.s32 $0x2E, v13;
	v19 =	vtrunc.f32 v19;
	v9 =	vsub.f32 v9, v10  }
0x136: {  	v27 =	vadd.s32 $0x8B, v16;
	v5 =	vld.idx.msk [tilespmem:v5+s25+$0x0], $0xffff;
	v6 =	vcvt.f32.s32 v19;
	v19 =	vmul.f32 v21, v14  }
0x137: {  	v12 =	vadd.f32 v12, v24;
	v21 =	vadd.s32 $0x7E, v16;
	v9 =	vmul.f32 v9, v14  }
0x138: {  	v14 =	vld [tilespmem:s12+$0x6000];
	v18 =	vadd.f32 v19, v18;
	v26 =	vmax.f32 v20, $-3.000000000e+01;
	v3 =	vmul.u32 $0xE, v11  }
0x139: {  	v19 =	vadd.s32 $0xA0, v11;
	v11 =	vadd.s32 $0x98, v11;
	v9 =	vadd.f32 v9, v10  }
0x13a: {  	v28 =	vld.idx.msk [tilespmem:v13+s25+$0x0], $0xffff;
	v13 =	vmax.f32 v22, $1.800000000e+01;
	v6 =	vadd.s32 $0x2E, v6;
	v1 =	vsub.f32 v1, v18  }
0x13b: {  	v23 =	vadd.s32 v16, v3;
	v3 =	vmul.u32 $0xE, v5;
	v22 =	vsub.f32 v9, v12  }
0x13c: {  	v10 =	vld [tilespmem:s9+$0x7000];
	v9 =	vmin.f32 v13, $3.200000000e+01;
	v24 =	vadd.s32 $0x1, v23;
	v25 =	vadd.s32 $0xE, v23  }
0x13d: {  	v21 =	vld.idx.msk [tilespmem:v21+s23+$0x0], $0xffff;
	v13 =	vmax.f32 v14, $1.800000000e+01;
	v1 =	vmul.f32 v1, v8;
	v8 =	vadd.f32 $-1.800000000e+01, v9  }
0x13e: {  	v16 =	vadd.s32 v16, v3;
	v3 =	vmin.f32 v26, $5.000000000e+01;
	v13 =	vmin.f32 v13, $3.200000000e+01;
	v11 =	vld.idx.msk [tilespmem:v11+s23+$0x0], $0xffff  }
0x13f: {  	v4 =	vmul.f32 v22, v4;
	v26 =	vadd.f32 $3.000000000e+01, v3;
	v30 =	vadd.s32 $0x1, v16;
	v19 =	vld.idx.msk [tilespmem:v19+s23+$0x0], $0xffff  }
0x140: {  	v29 =	vadd.s32 $0xE, v16;
	v8 =	vadd.f32 v8, v8;
	v1 =	vadd.f32 v1, v18;
	v14 =	vld.idx.msk [tilespmem:v23+s23+$0x0], $0xffff  }
0x141: {  	v4 =	vadd.f32 v4, v12;
	v22 =	vmul.f32 $2.000000030e-01, v26;
	v26 =	vld.idx.msk [tilespmem:v27+s23+$0x0], $0xffff;
	v23 =	vadd.s32 $0xF, v23  }
0x142: {  	v31 =	vadd.f32 $-1.800000000e+01, v13;
	v27 =	vadd.s32 $0x98, v5;
	v15 =	vmul.f32 v21, v15;
	v21 =	vld.idx.msk [tilespmem:v25+s23+$0x0], $0xffff  }
0x143: {  	v5 =	vadd.s32 $0xA0, v5;
	v8 =	vtrunc.f32 v8;
	v1 =	vmin.f32 v1, v4;
	v50 =	vld.idx.msk [tilespmem:v16+s23+$0x0], $0xffff  }
0x144: {  	v8 =	vcvt.f32.s32 v8;
	v12 =	vtrunc.f32 v22;
	v16 =	vadd.s32 $0xF, v16;
	v18 =	vld.idx.msk [tilespmem:v30+s23+$0x0], $0xffff  }
0x145: {  	v10 =	vsub.f32 v1, v10;
	v1 =	vmax.f32 v20, $-2.000000000e+01;
	v22 =	vld.idx.msk [tilespmem:v29+s23+$0x0], $0xffff;
	v29 =	vadd.f32 v31, v31  }
0x146: {  	v12 =	vcvt.f32.s32 v12;
	v11 =	vmul.f32 v11, v17;
	v8 =	vadd.s32 $0x11, v8;
	v4 =	vld.idx.msk [tilespmem:v23+s23+$0x0], $0xffff  }
0x147: {  	v1 =	vmin.f32 v1, $4.500000000e+01;
	v10 =	vmax.f32 v10, $-2.000000000e+01;
	v23 =	vtrunc.f32 v29;
	v17 =	vld.idx.msk [tilespmem:v27+s23+$0x0], $0xffff  }
0x148: {  	v24 =	vld.idx.msk [tilespmem:v24+s23+$0x0], $0xffff;
	v15 =	vadd.f32 v26, v15;
	v25 =	vmin.f32 v10, $2.000000000e+01;
	v20 =	vcvt.f32.s32 v23  }
0x149: {  	v5 =	vld.idx.msk [tilespmem:v5+s23+$0x0], $0xffff;
	v26 =	vadd.s32 $0xB0, v28;
	v23 =	vadd.f32 $2.000000000e+01, v1;
	v18 =	vsub.f32 v18, v50  }
0x14a: {  	v27 =	vadd.s32 $0xA8, v28;
	v16 =	vld.idx.msk [tilespmem:v16+s23+$0x0], $0xffff;
	v10 =	vadd.s32 $0x11, v20;
	v20 =	vadd.f32 $2.000000000e+01, v25  }
0x14b: {  	v23 =	vmul.f32 $2.000000030e-01, v23;
	v8 =	vld.idx.msk [tilespmem:v8+s25+$0x0], $0xffff;
	v18 =	vmul.f32 v18, v15;
	v4 =	vsub.f32 v4, v21  }
0x14c: {  	v11 =	vadd.f32 v19, v11;
	v12 =	vld.idx.msk [tilespmem:v12+s25+$0x0], $0xffff;
	v20 =	vmul.f32 $2.000000030e-01, v20;
	v2 =	vmul.f32 v17, v2  }
0x14d: {  	v23 =	vtrunc.f32 v23;
	v4 =	vmul.f32 v4, v15;
	v17 =	vadd.f32 v18, v50  }
0x14e: {  	v18 =	vtrunc.f32 v20;
	v20 =	vsub.f32 v24, v14;
	v2 =	vadd.f32 v5, v2  }
0x14f: {  	v16 =	vsub.f32 v16, v22;
	v5 =	vcvt.f32.s32 v18;
	v18 =	vcvt.f32.s32 v23  }
0x150: {  	s14 =	simm.s32 $0x30;
	v10 =	vld.idx.msk [tilespmem:v10+s25+$0x0], $0xffff;
	v28 =	vadd.s32 $0xA0, v8;
	v24 =	vmul.u32 $0xE, v8;
	v20 =	vmul.f32 v20, v15  }
0x151: {  	v23 =	vld [tilespmem:s14+$0x4000];
	v4 =	vadd.f32 v4, v21;
	v21 =	vadd.s32 $0x7E, v12;
	v51 =	vadd.s32 $0x8B, v12  }
0x152: {  	v19 =	vld [tilespmem:s14+$0x5000];
	vm15 =	vlt.s32 v5, $0x7;
	v24 =	vadd.s32 v12, v24;
	v14 =	vadd.f32 v20, v14  }
0x153: {  	v52 =	vld.idx.msk [tilespmem:v6+s25+$0x0], $0xffff;
	v20 =	vadd.s32 $0x98, v8;
	v8 =	vmul.f32 v16, v15;
	v16 =	vnsel vm15, $0x7, v5  }
0x154: {  	v15 =	vld [tilespmem:s14+$0x6000];
	v30 =	vadd.s32 $0x1, v24;
	v31 =	vadd.s32 $0xE, v24;
	v59 =	vadd.s32 $0xC0, v16  }
0x155: {  	v29 =	vld [tilespmem:s10+$0x7000];
	v60 =	vadd.s32 $0xB8, v16;
	v5 =	vmul.u32 $0xE, v10;
	v4 =	vsub.f32 v4, v14  }
0x156: {  	v27 =	vld.idx.msk [tilespmem:v27+s23+$0x0], $0xffff;
	v8 =	vadd.f32 v8, v22;
	v22 =	vmax.f32 v23, $-3.000000000e+01;
	v57 =	vadd.s32 $0xA0, v10  }
0x157: {  	v6 =	vmin.f32 v22, $5.000000000e+01;
	v22 =	vld.idx.msk [tilespmem:v26+s23+$0x0], $0xffff;
	v12 =	vadd.s32 v12, v5;
	v5 =	vmax.f32 v19, $1.800000000e+01  }
0x158: {  	v21 =	vld.idx.msk [tilespmem:v21+s23+$0x0], $0xffff;
	v19 =	vsub.f32 v8, v17;
	v26 =	vadd.f32 $3.000000000e+01, v6;
	v55 =	vmul.f32 v4, v11  }
0x159: {  	v8 =	vld.idx.msk [tilespmem:v24+s23+$0x0], $0xffff;
	v5 =	vmin.f32 v5, $3.200000000e+01;
	v15 =	vmax.f32 v15, $1.800000000e+01;
	v54 =	vadd.s32 $0x1, v12  }
0x15a: {  	v53 =	vadd.s32 $0xE, v12;
	v4 =	vmin.f32 v15, $3.200000000e+01;
	v15 =	vld.idx.msk [tilespmem:v20+s23+$0x0], $0xffff;
	v2 =	vmul.f32 v19, v2  }
0x15b: {  	v11 =	vadd.f32 $-1.800000000e+01, v5;
	v19 =	vmul.f32 $2.000000030e-01, v26;
	v20 =	vadd.s32 $0xF, v24;
	v24 =	vld.idx.msk [tilespmem:v51+s23+$0x0], $0xffff  }
0x15c: {  	v30 =	vld.idx.msk [tilespmem:v30+s23+$0x0], $0xffff;
	v26 =	vadd.s32 $0x98, v10;
	v56 =	vadd.f32 $-1.800000000e+01, v4;
	v2 =	vadd.f32 v2, v17  }
0x15d: {  	v10 =	vtrunc.f32 v19;
	v19 =	vadd.f32 v11, v11;
	v3 =	vmul.f32 v21, v3;
	v58 =	vld.idx.msk [tilespmem:v12+s23+$0x0], $0xffff  }
0x15e: {  	v39 =	vcvt.f32.s32 v10;
	v10 =	vadd.f32 v55, v14;
	v16 =	vadd.f32 v56, v56;
	v14 =	vld.idx.msk [tilespmem:v54+s23+$0x0], $0xffff  }
0x15f: {  	v17 =	vld.idx.msk [tilespmem:v31+s23+$0x0], $0xffff;
	v21 =	vadd.s32 $0xF, v12;
	v12 =	vtrunc.f32 v19;
	v15 =	vmul.f32 v15, v9  }
0x160: {  	v19 =	vld.idx.msk [tilespmem:v20+s23+$0x0], $0xffff;
	v2 =	vmin.f32 v10, v2;
	v9 =	vtrunc.f32 v16;
	v16 =	vadd.f32 v24, v3  }
0x161: {  	v20 =	vld.idx.msk [tilespmem:v26+s23+$0x0], $0xffff;
	v12 =	vcvt.f32.s32 v12;
	v3 =	vsub.f32 v2, v29;
	v2 =	vmax.f32 v23, $-2.000000000e+01  }
0x162: {  	v26 =	vld.idx.msk [tilespmem:v59+s23+$0x0], $0xffff;
	v10 =	vadd.s32 $0x2E, v18;
	v9 =	vcvt.f32.s32 v9;
	v2 =	vmin.f32 v2, $4.500000000e+01  }
0x163: {  	v29 =	vld.idx.msk [tilespmem:v57+s23+$0x0], $0xffff;
	v18 =	vadd.s32 $0x11, v12;
	v3 =	vmax.f32 v3, $-2.000000000e+01;
	v14 =	vsub.f32 v14, v58  }
0x164: {  	v24 =	vld.idx.msk [tilespmem:v21+s23+$0x0], $0xffff;
	v21 =	vmul.f32 v22, v7;
	v23 =	vadd.f32 $2.000000000e+01, v2;
	v3 =	vmin.f32 v3, $2.000000000e+01  }
0x165: {  	v11 =	vld.idx.msk [tilespmem:v53+s23+$0x0], $0xffff;
	v31 =	vadd.s32 $0x11, v9;
	v61 =	vmul.f32 v14, v16;
	v14 =	vadd.f32 $2.000000000e+01, v3  }
0x166: {  	v12 =	vld.idx.msk [tilespmem:v60+s23+$0x0], $0xffff;
	v7 =	vadd.s32 $0xA8, v52;
	v9 =	vadd.s32 $0xB0, v52;
	v22 =	vmul.f32 $2.000000030e-01, v23  }
0x167: {  	v19 =	vsub.f32 v19, v17;
	v23 =	vld.idx.msk [tilespmem:v39+s25+$0x0], $0xffff;
	v63 =	vmul.f32 v20, v13;
	v62 =	vmul.f32 $2.000000030e-01, v14  }
0x168: {  	v13 =	vadd.f32 v21, v27;
	v22 =	vtrunc.f32 v22;
	v14 =	vmul.f32 v25, v26;
	v26 =	vld.idx.msk [tilespmem:v28+s23+$0x0], $0xffff  }
0x169: {  	v27 =	vmul.f32 v19, v16;
	v21 =	vadd.f32 v29, v63;
	v25 =	vld.idx.msk [tilespmem:v18+s25+$0x0], $0xffff;
	v19 =	vtrunc.f32 v62  }
0x16a: {  	s15 =	simm.s32 $0x100;
	v18 =	vadd.f32 v61, v58;
	v20 =	vld.idx.msk [tilespmem:v31+s25+$0x0], $0xffff;
	v28 =	vsub.f32 v30, v8;
	v19 =	vcvt.f32.s32 v19  }
.LBB2_5:
0x16b: {  	s16 =	sshra.s32 s15, $0x2;
	p1 =	sne.s32 s15, $0x3FC0;
	s15 =	sadd.s32 $0x40, s15;
	v22 =	vcvt.f32.s32 v22;
	v17 =	vadd.f32 v27, v17;
	v12 =	vadd.f32 v14, v12  }
0x16c: {  	v27 =	vadd.s32 $0x7E, v23;
	v24 =	vsub.f32 v24, v11;
	v14 =	vld [tilespmem:s16+$0x4000];
	v28 =	vmul.f32 v28, v16  }
0x16d: {  	v15 =	vadd.f32 v26, v15;
	vm0 =	vlt.s32 v19, $0x7;
	v29 =	vld [tilespmem:s16+$0x6000];
	v12 =	vmin.f32 v13, v12  }
0x16e: {  	v26 =	vadd.s32 $0xA0, v25;
	v30 =	vmul.u32 $0xE, v25;
	v13 =	vld [tilespmem:s16+$0x5000];
	v28 =	vadd.f32 v28, v8;
	[tilespmem:s9+$0x9000] =	vst v12;
	s9 =	smov.u32 s10;
	s10 =	smov.u32 s12;
	s12 =	smov.u32 s14  }
0x16f: {  	v12 =	vadd.s32 $0x98, v25;
	v8 =	vmul.f32 v24, v16;
	v16 =	vnsel vm0, $0x7, v19;
	s14 =	smov.u32 s16  }
0x170: {  	v19 =	vadd.s32 v23, v30;
	v24 =	vmul.u32 $0xE, v20;
	v25 =	vld [tilespmem:s10+$0x7000];
	v17 =	vsub.f32 v17, v28  }
0x171: {  	v30 =	vadd.s32 $0x1, v19;
	v31 =	vadd.s32 $0xE, v19;
	v8 =	vadd.f32 v8, v11;
	v32 =	vld.idx.msk [tilespmem:v7+s23+$0x0], $0xffff  }
0x172: {  	v11 =	vadd.s32 $0x8B, v23;
	v7 =	vmax.f32 v14, $-3.000000000e+01;
	v23 =	vadd.s32 v23, v24;
	v33 =	vld.idx.msk [tilespmem:v10+s25+$0x0], $0xffff  }
0x173: {  	v7 =	vmin.f32 v7, $5.000000000e+01;
	v10 =	vmax.f32 v13, $1.800000000e+01;
	v13 =	vsub.f32 v8, v18;
	v34 =	vld.idx.msk [tilespmem:v9+s23+$0x0], $0xffff  }
0x174: {  	v9 =	vadd.f32 $3.000000000e+01, v7;
	v10 =	vmin.f32 v10, $3.200000000e+01;
	v24 =	vld.idx.msk [tilespmem:v27+s23+$0x0], $0xffff;
	v27 =	vadd.s32 $0xE, v23  }
0x175: {  	v29 =	vmax.f32 v29, $1.800000000e+01;
	v35 =	vadd.s32 $0x1, v23;
	v15 =	vmul.f32 v17, v15;
	v8 =	vld.idx.msk [tilespmem:v19+s23+$0x0], $0xffff  }
0x176: {  	v29 =	vmin.f32 v29, $3.200000000e+01;
	v17 =	vadd.f32 $-1.800000000e+01, v10;
	v13 =	vmul.f32 v13, v21;
	v12 =	vld.idx.msk [tilespmem:v12+s23+$0x0], $0xffff  }
0x177: {  	v36 =	vadd.s32 $0x98, v20;
	v9 =	vmul.f32 $2.000000030e-01, v9;
	v19 =	vadd.s32 $0xF, v19;
	v21 =	vld.idx.msk [tilespmem:v11+s23+$0x0], $0xffff  }
0x178: {  	v20 =	vadd.s32 $0xA0, v20;
	v37 =	vadd.f32 $-1.800000000e+01, v29;
	v13 =	vadd.f32 v13, v18;
	v38 =	vld.idx.msk [tilespmem:v23+s23+$0x0], $0xffff  }
0x179: {  	v9 =	vtrunc.f32 v9;
	v18 =	vadd.f32 v17, v17;
	v11 =	vld.idx.msk [tilespmem:v27+s23+$0x0], $0xffff;
	v27 =	vadd.s32 $0xC0, v16  }
0x17a: {  	v28 =	vadd.f32 v15, v28;
	v39 =	vcvt.f32.s32 v9;
	v9 =	vld.idx.msk [tilespmem:v35+s23+$0x0], $0xffff;
	v35 =	vadd.s32 $0xB8, v16  }
0x17b: {  	v23 =	vadd.s32 $0xF, v23;
	v24 =	vmul.f32 v24, v6;
	v6 =	vmovc v7;
	v16 =	vadd.f32 v37, v37;
	v17 =	vld.idx.msk [tilespmem:v31+s23+$0x0], $0xffff  }
0x17c: {  	v7 =	vtrunc.f32 v18;
	v15 =	vmul.f32 v12, v5;
	v12 =	vmin.f32 v28, v13;
	v5 =	vmovc v10;
	v18 =	vld.idx.msk [tilespmem:v19+s23+$0x0], $0xffff  }
0x17d: {  	v10 =	vtrunc.f32 v16;
	v16 =	vadd.f32 v21, v24;
	v12 =	vsub.f32 v12, v25;
	v13 =	vld.idx.msk [tilespmem:v36+s23+$0x0], $0xffff  }
0x17e: {  	v14 =	vmax.f32 v14, $-2.000000000e+01;
	v7 =	vcvt.f32.s32 v7;
	v19 =	vcvt.f32.s32 v10;
	v21 =	vld.idx.msk [tilespmem:v27+s23+$0x0], $0xffff  }
0x17f: {  	v14 =	vmin.f32 v14, $4.500000000e+01;
	v10 =	vadd.s32 $0x2E, v22;
	v31 =	vld.idx.msk [tilespmem:v20+s23+$0x0], $0xffff;
	v20 =	vmax.f32 v12, $-2.000000000e+01  }
0x180: {  	v25 =	vadd.s32 $0x11, v7;
	v19 =	vadd.s32 $0x11, v19;
	v7 =	vsub.f32 v9, v38;
	v12 =	vld.idx.msk [tilespmem:v35+s23+$0x0], $0xffff  }
0x181: {  	v22 =	vadd.f32 $2.000000000e+01, v14;
	v9 =	vadd.s32 $0xB0, v33;
	v20 =	vmin.f32 v20, $2.000000000e+01;
	v28 =	vld.idx.msk [tilespmem:v30+s23+$0x0], $0xffff  }
0x182: {  	v34 =	vmul.f32 v34, v0;
	v0 =	vmovc v1;
	v30 =	vmul.f32 v7, v16;
	v27 =	vadd.f32 $2.000000000e+01, v20;
	v24 =	vld.idx.msk [tilespmem:v23+s23+$0x0], $0xffff  }
.Ltmp1:
0x183: {  	v1 =	vmovc v2;
	v2 =	vmovc v14;
	v22 =	vmul.f32 $2.000000030e-01, v22;
	v18 =	vsub.f32 v18, v17;
	v7 =	vadd.s32 $0xA8, v33;
	v23 =	vld.idx.msk [tilespmem:v39+s25+$0x0], $0xffff;
	(pc) =	sbr.rel @p1 .LBB2_5-.Ltmp1, $4  }
0x184: {  	v33 =	vmul.f32 $2.000000030e-01, v27;
	v14 =	vmul.f32 v3, v21;
	v3 =	vmov v20;
	v26 =	vld.idx.msk [tilespmem:v26+s23+$0x0], $0xffff  }
0x185: {  	v22 =	vtrunc.f32 v22;
	v21 =	vmul.f32 v13, v4;
	v13 =	vadd.f32 v34, v32;
	v4 =	vmovc v29;
	v25 =	vld.idx.msk [tilespmem:v25+s25+$0x0], $0xffff  }
0x186: {  	v27 =	vmul.f32 v18, v16;
	v18 =	vadd.f32 v30, v38;
	v29 =	vtrunc.f32 v33  }
0x187: {  	v21 =	vadd.f32 v31, v21;
	v28 =	vsub.f32 v28, v8;
	v20 =	vld.idx.msk [tilespmem:v19+s25+$0x0], $0xffff;
	v19 =	vcvt.f32.s32 v29  }
0x188: {  	_ = 	snop  }
0x189: {  	v30 =	vadd.s32 $0x7E, v23  }
0x18a: {  	v33 =	vadd.s32 $0x8B, v23;
	v29 =	vmul.u32 $0xE, v25  }
0x18b: {  	v31 =	vadd.s32 $0x98, v25  }
0x18c: {  	v29 =	vadd.s32 v23, v29  }
0x18d: {  	v32 =	vmul.u32 $0xE, v20;
	v36 =	vadd.s32 $0xE, v29  }
0x18e: {  	v30 =	vld.idx.msk [tilespmem:v30+s23+$0x0], $0xffff;
	v37 =	vadd.s32 $0xF, v29  }
0x18f: {  	v33 =	vld.idx.msk [tilespmem:v33+s23+$0x0], $0xffff;
	v59 =	vadd.s32 v23, v32  }
0x190: {  	v32 =	vadd.s32 $0xE, v59;
	v31 =	vld.idx.msk [tilespmem:v31+s23+$0x0], $0xffff  }
0x191: {  	v35 =	vadd.s32 $0x1, v59;
	v34 =	vld.idx.msk [tilespmem:v29+s23+$0x0], $0xffff  }
0x192: {  	v23 =	vadd.s32 $0xF, v59;
	v36 =	vld.idx.msk [tilespmem:v36+s23+$0x0], $0xffff  }
0x193: {  	v29 =	vadd.s32 $0x1, v29;
	v37 =	vld.idx.msk [tilespmem:v37+s23+$0x0], $0xffff  }
0x194: {  	v24 =	vsub.f32 v24, v11;
	v38 =	vld.idx.msk [tilespmem:v59+s23+$0x0], $0xffff  }
0x195: {  	v28 =	vmul.f32 v28, v16;
	v32 =	vld.idx.msk [tilespmem:v32+s23+$0x0], $0xffff  }
0x196: {  	v60 =	vmul.f32 v24, v16;
	v61 =	vadd.s32 $0x98, v20;
	v35 =	vld.idx.msk [tilespmem:v35+s23+$0x0], $0xffff  }
0x197: {  	v17 =	vadd.f32 v27, v17;
	v8 =	vadd.f32 v28, v8;
	v62 =	vadd.s32 $0xA0, v20;
	v23 =	vld.idx.msk [tilespmem:v23+s23+$0x0], $0xffff  }
0x198: {  	v28 =	vadd.f32 v60, v11;
	v63 =	vld.idx.msk [tilespmem:v29+s23+$0x0], $0xffff;
	v29 =	vadd.s32 $0xA0, v25  }
0x199: {  	v15 =	vadd.f32 v26, v15;
	v17 =	vsub.f32 v17, v8;
	v6 =	vmul.f32 v30, v6  }
0x19a: {  	v11 =	vsub.f32 v28, v18  }
0x19b: {  	v15 =	vmul.f32 v17, v15;
	v6 =	vadd.f32 v33, v6;
	v33 =	vld.idx.msk [tilespmem:v61+s23+$0x0], $0xffff  }
0x19c: {  	v11 =	vmul.f32 v11, v21;
	v20 =	vld.idx.msk [tilespmem:v62+s23+$0x0], $0xffff;
	v37 =	vsub.f32 v37, v36;
	v35 =	vsub.f32 v35, v38  }
0x19d: {  	v5 =	vmul.f32 v31, v5;
	v23 =	vsub.f32 v23, v32;
	v16 =	vld.idx.msk [tilespmem:v29+s23+$0x0], $0xffff;
	v39 =	vsub.f32 v63, v34  }
0x19e: {  	v8 =	vadd.f32 v15, v8;
	v41 =	vmul.f32 v37, v6;
	v40 =	vmul.f32 v35, v6  }
0x19f: {  	v11 =	vadd.f32 v11, v18;
	v42 =	vmul.f32 v39, v6;
	v6 =	vmul.f32 v23, v6  }
0x1a0: {  	v4 =	vmul.f32 v33, v4;
	v44 =	vadd.f32 v41, v36;
	v43 =	vadd.f32 v40, v38  }
0x1a1: {  	v45 =	vld [tilespmem:s12+$0x7000];
	v15 =	vadd.f32 v42, v34;
	v6 =	vadd.f32 v6, v32  }
0x1a2: {  	v4 =	vadd.f32 v20, v4;
	v5 =	vadd.f32 v16, v5  }
0x1a3: {  	v46 =	vsub.f32 v44, v15;
	v6 =	vsub.f32 v6, v43;
	_ =	sdelay $0x1  }
0x1a4: {  	v47 =	vld [tilespmem:s14+$0x7000];
	v8 =	vmin.f32 v8, v11;
	v5 =	vmul.f32 v46, v5;
	v4 =	vmul.f32 v6, v4  }
0x1a5: {  	v48 =	vsub.f32 v8, v45  }
0x1a6: {  	v4 =	vadd.f32 v4, v43;
	v5 =	vadd.f32 v5, v15;
	_ =	sdelay $0x1  }
0x1a7: {  	v6 =	vmax.f32 v48, $-2.000000000e+01;
	v4 =	vmin.f32 v5, v4  }
0x1a8: {  	v49 =	vcvt.f32.s32 v22;
	v6 =	vmin.f32 v6, $2.000000000e+01;
	v4 =	vsub.f32 v4, v47  }
0x1a9: {  	v10 =	vld.idx.msk [tilespmem:v10+s25+$0x0], $0xffff;
	v50 =	vadd.f32 $2.000000000e+01, v6  }
0x1aa: {  	v5 =	vadd.s32 $0x2E, v49;
	v4 =	vmax.f32 v4, $-2.000000000e+01  }
0x1ab: {  	v8 =	vmul.f32 $2.000000030e-01, v50;
	v4 =	vmin.f32 v4, $2.000000000e+01  }
0x1ac: {  	v51 =	vadd.f32 $2.000000000e+01, v4  }
0x1ad: {  	vm0 =	vlt.s32 v19, $0x7;
	v8 =	vtrunc.f32 v8  }
0x1ae: {  	v54 =	vadd.s32 $0xA8, v10;
	v8 =	vcvt.f32.s32 v8;
	v11 =	vmul.f32 $2.000000030e-01, v51  }
0x1af: {  	v52 =	vnsel vm0, $0x7, v19;
	v10 =	vadd.s32 $0xB0, v10;
	v5 =	vld.idx.msk [tilespmem:v5+s25+$0x0], $0xffff  }
0x1b0: {  	v53 =	vadd.s32 $0xC0, v52;
	vm14 =	vlt.s32 v8, $0x7;
	v11 =	vtrunc.f32 v11  }
0x1b1: {  	v7 =	vld.idx.msk [tilespmem:v7+s23+$0x0], $0xffff;
	v15 =	vadd.s32 $0xB8, v52;
	v8 =	vnsel vm14, $0x7, v8;
	v11 =	vcvt.f32.s32 v11  }
0x1b2: {  	v9 =	vld.idx.msk [tilespmem:v9+s23+$0x0], $0xffff;
	v55 =	vadd.s32 $0xC0, v8  }
0x1b3: {  	v17 =	vld.idx.msk [tilespmem:v54+s23+$0x0], $0xffff;
	v8 =	vadd.s32 $0xB8, v8;
	vm15 =	vlt.s32 v11, $0x7  }
0x1b4: {  	v10 =	vld.idx.msk [tilespmem:v10+s23+$0x0], $0xffff;
	v56 =	vadd.s32 $0xB0, v5;
	v11 =	vnsel vm15, $0x7, v11  }
0x1b5: {  	v16 =	vld.idx.msk [tilespmem:v53+s23+$0x0], $0xffff;
	v57 =	vadd.s32 $0xC0, v11  }
0x1b6: {  	v15 =	vld.idx.msk [tilespmem:v15+s23+$0x0], $0xffff;
	v5 =	vadd.s32 $0xA8, v5  }
0x1b7: {  	v18 =	vld.idx.msk [tilespmem:v55+s23+$0x0], $0xffff;
	v11 =	vadd.s32 $0xB8, v11  }
0x1b8: {  	v8 =	vld.idx.msk [tilespmem:v8+s23+$0x0], $0xffff  }
0x1b9: {  	v19 =	vld.idx.msk [tilespmem:v56+s23+$0x0], $0xffff  }
0x1ba: {  	v20 =	vld.idx.msk [tilespmem:v57+s23+$0x0], $0xffff  }
0x1bb: {  	v0 =	vmul.f32 v9, v0;
	v5 =	vld.idx.msk [tilespmem:v5+s23+$0x0], $0xffff  }
0x1bc: {  	v58 =	vld.idx.msk [tilespmem:v11+s23+$0x0], $0xffff  }
0x1bd: {  	v0 =	vadd.f32 v0, v7;
	v3 =	vmul.f32 v3, v16  }
0x1be: {  	v59 =	vadd.f32 v14, v12;
	v1 =	vmul.f32 v10, v1;
	v6 =	vmul.f32 v6, v18  }
0x1bf: {  	v3 =	vadd.f32 v3, v15;
	v2 =	vmul.f32 v19, v2;
	v4 =	vmul.f32 v4, v20  }
0x1c0: {  	v60 =	vmin.f32 v13, v59;
	v1 =	vadd.f32 v1, v17;
	v6 =	vadd.f32 v6, v8  }
0x1c1: {  	[tilespmem:s9+$0x9000] =	vst v60;
	v0 =	vmin.f32 v0, v3;
	v2 =	vadd.f32 v2, v5;
	v61 =	vadd.f32 v4, v58  }
0x1c2: {  	s9 =	sadd.s32 @!p0 s5, s21;
	[tilespmem:s10+$0x9000] =	vst v0;
	v62 =	vmin.f32 v1, v6  }
0x1c3: {  	s15 =	simm.s32 @!p0 $0x4000;
	s9 =	sshll.u32 @!p0 s9, $0x7;
	[tilespmem:s12+$0x9000] =	vst v62;
	v63 =	vmin.f32 v2, v61  }
0x1c4: {  	s10 =	sadd.s32 @!p0 s9, s7;
	s12 =	simm.s32 @!p0 $0x80;
	[tilespmem:s14+$0x9000] =	vst v63;
	s14 =	simm.s32 @!p0 $0x400  }
0x1c5: {  	[tilespmem:s15], [sflag:$0x2] =	stream.strided.gather @!p0 [hbm4b:s10+s12], $0x1000, s14, s12, $0x38;
	[tilespmem:$0xA108] =	vst v63  }
0x1c6: {  	s16 =	sadd.s32 s5, s6;
	s10 =	sadd.s32 @!p0 s9, s8;
	s15 =	simm.s32 @!p0 $0x5000  }
0x1c7: {  	[tilespmem:s15], [sflag:$0x2] =	stream.strided.gather @!p0 [hbm4b:s10+s12], $0x1000, s14, s12, $0x38;
	[tilespmem:$0xA108] =	vst v63  }
0x1c8: {  	s4 =	sadd.s32 $0x1, s4;
	s10 =	sadd.s32 @!p0 s9, s11;
	s15 =	simm.s32 @!p0 $0x6000  }
0x1c9: {  	[tilespmem:s15], [sflag:$0x2] =	stream.strided.gather @!p0 [hbm4b:s10+s12], $0x1000, s14, s12, $0x38;
	[tilespmem:$0xA108] =	vst v63  }
0x1ca: {  	s5 =	sshll.u32 s16, $0x4;
	s9 =	sadd.s32 @!p0 s9, s13;
	s10 =	simm.s32 @!p0 $0x7000  }
0x1cb: {  	[tilespmem:s10], [sflag:$0x2] =	stream.strided.gather @!p0 [hbm4b:s9+s12], $0x1000, s14, s12, $0x38;
	[tilespmem:$0xA108] =	vst v63  }
0x1cc: {  	s5 =	sadd.s32 s1, s5;
	p0 =	sne.s32 s4, $0x4  }
.Ltmp2:
0x1cd: {  	s5 =	sadd.s32 $0x200, s5;
	(pc) =	sbr.rel @p0 .LBB2_2-.Ltmp2, $4  }
0x1ce: {  	[hbm4b:s5+s2] =	stream.linear.scatter [tilespmem:s29], [sflag:$0x3], $0x1000, $0x38;
	[tilespmem:$0xA108] =	vst v63  }
0x1cf: {  	_ =	swait.ge [sflag:s24], $0x1000  }
0x1d0: {  	[sflag:s24] =	ssyncset.done $0x0  }
0x1d1: {  	[sflag:s24] =	ssyncadd.s32 $0xFFFFF000  }
0x1d2: {  	s30 =	sadd.s32 $0x1, s30  }
0x1d3: {  	p0 =	sne.s32 s30, s22  }
.Ltmp3:
0x1d4: {  	_ = 	snop;
	(pc) =	sbr.rel @p0 .LBB2_1-.Ltmp3, $1  }
0x1d5: {  	_ =	sdelay $0x3  }
0x1d6: {  	_ =	sfence.sel $0x180000  }
0x1d7: {  	[bflag:$0x0] =	sbarrier.arrive $0xFFFF  }
0x1d8: {  	_ =	strace $0x90000047  }
0x1d9: {  	s0 =	stileid.u32;
	[bflag:$0x2] =	sbarrier.arrive $0xFFFF  }
0x1da: {  	p0 =	sne.s32 s0, $0x0;
	s0 =	rddreg [dreg:$0x3]  }
0x1db: {  	s0 =	sadd.s32 @!p0 $0x100000, s0  }
0x1dc: {  	[sflag:s0] =	ssyncadd.tile.s32 @!p0 $0x1;
	_ =	shalt  }
.Lfunc_end2:
_tile_overlayer_lowered:
.L_overlay_start_2:
0x1dd: {  	(tag) =	ssettag $0x2  }
0x1de: {  	s0 =	rddreg [dreg:$0x0];
	s2 =	stileid.u32  }
0x1df: {  	s1 =	rddreg [dreg:$0x1];
	p0 =	sne.s32 s2, $0x0  }
0x1e0: {  	s3 =	rddreg [dreg:$0x2];
	[bflag:$0x3] =	sbarrier.arrive $0xFFFF;
	s2 =	simm.s32 @!p0 $0x1C03  }
0x1e1: {  	[timem:s3], [sflag:s2] =	dma.local @!p0 [hbm:s0], s1  }
0x1e2: {  	s0 =	simm.s32 @!p0 $0x3  }
0x1e3: {  	_ =	swait.ge @!p0 [sflag:s0], s1  }
0x1e4: {  	s1 =	ssub.s32 @!p0 $0x0, s1;
	[sflag:s0] =	ssyncset.done @!p0 $0x0  }
0x1e5: {  	[sflag:s0] =	ssyncadd.s32 @!p0 s1  }
0x1e6: {  	[bflag:$0x3] =	sbarrier.arrive $0xFFFF  }
0x1e7: {  	_ =	shalt  }

</sc_bundles>
